<compile_context>
chip_gen: v7x
topology: tpu7x:2x2x1
jax: 0.10.2.dev20260603
libtpu: 0.0.44.dev20260713+nightly
codegen_flags: <defaults>
</compile_context>

<pallas_src>
import functools

import jax
import jax.numpy as jnp
from jax import lax
from jax.experimental import pallas as pl
from jax.experimental.pallas import tpu as pltpu
from jax.experimental.pallas import tpu_sc as plsc

B = 4096
H = 2048
V = 101
OUT = 5
BT = 256
NBLK = B // BT
NEG = -1e30

NW = 32
RPW = B // NW
CH = 8
NCH = RPW // CH


def _fold_kernel(embed_ref, w0_ref, out_ref):
    out_ref[0] = jnp.dot(embed_ref[...], w0_ref[0],
                         preferred_element_type=jnp.float32)


def _sc_gather(mfold_hbm, idx_hbm, x0_hbm, idx_v, rows_v, out_v, sem):
    wid = lax.axis_index("s") * 2 + lax.axis_index("c")
    pltpu.sync_copy(idx_hbm.at[pl.ds(wid * (3 * RPW), 3 * RPW)], idx_v)

    def chunk(c, carry):
        pltpu.async_copy(
            mfold_hbm.at[idx_v.at[pl.ds(c * (3 * CH), 3 * CH)]],
            rows_v, sem).wait()

        def col(j, carry2):
            sl = pl.ds(j * 16, 16)
            for r in range(CH):
                out_v[r, sl] = (rows_v[3 * r, sl] + rows_v[3 * r + 1, sl]
                                + rows_v[3 * r + 2, sl])
            return carry2

        lax.fori_loop(0, H // 16, col, 0)
        pltpu.sync_copy(out_v, x0_hbm.at[pl.ds(wid * RPW + c * CH, CH)])
        return carry

    lax.fori_loop(0, NCH, chunk, 0)


def _mlp_kernel(x0_ref, lab_ref, b0_ref, w1_ref, b1_ref, w2_ref,
                b2_ref, w3_ref, b3_ref, w4_ref, b4_ref,
                pred_ref, loss_ref):
    h = jnp.maximum(x0_ref[...] + b0_ref[...], 0.0)
    h = jnp.dot(h, w1_ref[...], preferred_element_type=jnp.float32)
    h = jnp.maximum(h + b1_ref[...], 0.0)
    h = jnp.dot(h, w2_ref[...], preferred_element_type=jnp.float32)
    h = jnp.maximum(h + b2_ref[...], 0.0)
    h = jnp.dot(h, w3_ref[...], preferred_element_type=jnp.float32)
    h = jnp.maximum(h + b3_ref[...], 0.0)
    pred = jnp.dot(h, w4_ref[...], preferred_element_type=jnp.float32)
    pred = pred + b4_ref[...]
    pred_ref[...] = pred

    m = jnp.max(pred, axis=1, keepdims=True)
    lse = m + jnp.log(jnp.sum(jnp.exp(pred - m), axis=1, keepdims=True))
    lab = lab_ref[...]
    lanes128 = jax.lax.broadcasted_iota(jnp.int32, (BT, 128), 1)
    picked = jnp.sum(jnp.where(lanes128 == lab, pred, 0.0), axis=1,
                     keepdims=True)
    loss_ref[0, 0, 0] = jnp.sum(lse - picked) * (1.0 / B)


@functools.partial(jax.jit, static_argnames=())
def kernel(embed, W0, b0, W1, b1, W2, b2, W3, b3, W4, b4, triples, labels):
    embed_pad = jnp.zeros((128, H), jnp.float32).at[:V].set(embed)
    w0r = W0.reshape(3, H, H)
    mfold = pl.pallas_call(
        _fold_kernel,
        grid=(3,),
        in_specs=[
            pl.BlockSpec((128, H), lambda p: (0, 0)),
            pl.BlockSpec((1, H, H), lambda p: (p, 0, 0)),
        ],
        out_specs=pl.BlockSpec((1, 128, H), lambda p: (p, 0, 0)),
        out_shape=jax.ShapeDtypeStruct((3, 128, H), jnp.float32),
    )(embed_pad, w0r)
    mfold = mfold.reshape(3 * 128, H)

    idx_flat = (triples.astype(jnp.int32)
                + jnp.array([0, 128, 256], jnp.int32)[None, :]).reshape(B * 3)

    sc_fn = functools.partial(
        pl.kernel,
        mesh=plsc.VectorSubcoreMesh(core_axis_name="c", subcore_axis_name="s"),
        out_type=jax.ShapeDtypeStruct((B, H), jnp.float32),
        scratch_types=[
            pltpu.VMEM((3 * RPW,), jnp.int32),
            pltpu.VMEM((3 * CH, H), jnp.float32),
            pltpu.VMEM((CH, H), jnp.float32),
            pltpu.SemaphoreType.DMA,
        ],
    )(_sc_gather)
    x0 = sc_fn(mfold, idx_flat)

    w4p = jnp.zeros((H, 128), jnp.float32).at[:, :OUT].set(W4)
    b4p = jnp.full((1, 128), NEG, jnp.float32).at[0, :OUT].set(b4)
    lab2 = labels.astype(jnp.int32).reshape(B, 1)

    pred_pad, loss = pl.pallas_call(
        _mlp_kernel,
        grid=(NBLK,),
        in_specs=[
            pl.BlockSpec((BT, H), lambda i: (i, 0)),
            pl.BlockSpec((BT, 1), lambda i: (i, 0)),
            pl.BlockSpec((1, H), lambda i: (0, 0)),
            pl.BlockSpec((H, H), lambda i: (0, 0)),
            pl.BlockSpec((1, H), lambda i: (0, 0)),
            pl.BlockSpec((H, H), lambda i: (0, 0)),
            pl.BlockSpec((1, H), lambda i: (0, 0)),
            pl.BlockSpec((H, H), lambda i: (0, 0)),
            pl.BlockSpec((1, H), lambda i: (0, 0)),
            pl.BlockSpec((H, 128), lambda i: (0, 0)),
            pl.BlockSpec((1, 128), lambda i: (0, 0)),
        ],
        out_specs=[
            pl.BlockSpec((BT, 128), lambda i: (i, 0)),
            pl.BlockSpec((1, 1, 1), lambda i: (i, 0, 0),
                         memory_space=pltpu.SMEM),
        ],
        out_shape=[
            jax.ShapeDtypeStruct((B, 128), jnp.float32),
            jax.ShapeDtypeStruct((NBLK, 1, 1), jnp.float32),
        ],
        compiler_params=pltpu.CompilerParams(
            vmem_limit_bytes=64 * 1024 * 1024,
            dimension_semantics=("parallel",)),
    )(x0, lab2, b0.reshape(1, H), W1, b1.reshape(1, H),
      W2, b2.reshape(1, H), W3, b3.reshape(1, H), w4p, b4p)

    pred = pred_pad[:, :OUT]
    return (pred, jnp.sum(loss))

# --- scband reference (transcript-rebuilt; emitter-appended) ---
"""Pipeline reference for scband-triple-mlp-17755394802008 (READ-ONLY COPY).

The authoritative reference and input builder live on the scoring server;
editing this copy changes nothing except your own understanding.
"""

import jax, jax.numpy as jnp
import numpy as np

B = 4096
H = 2048
V = 101  # len(word2ix) + 1 (OOV row)
OUT = 5  # cross_entropy, binary=False


def _linear_params(key, fan_in, fan_out):
    bound = 1.0 / np.sqrt(fan_in)
    kw, kb = jax.random.split(key)
    W = jax.random.uniform(kw, (fan_in, fan_out), minval=-bound, maxval=bound, dtype=jnp.float32)
    b = jax.random.uniform(kb, (fan_out,), minval=-bound, maxval=bound, dtype=jnp.float32)
    return W, b


def setup_inputs(seed: int = 0) -> dict:
    key = jax.random.key(seed)
    ks = jax.random.split(key, 8)
    triples = jax.random.randint(ks[0], (B, 3), 0, V)
    labels = jax.random.randint(ks[1], (B,), 0, OUT)
    embed = jax.random.normal(ks[2], (V, H), dtype=jnp.float32)
    W0, b0 = _linear_params(ks[3], 3 * H, H)
    W1, b1 = _linear_params(ks[4], H, H)
    W2, b2 = _linear_params(ks[5], H, H)
    W3, b3 = _linear_params(ks[6], H, H)
    W4, b4 = _linear_params(ks[7], H, OUT)
    return {
        "embed": embed,
        "W0": W0, "b0": b0,
        "W1": W1, "b1": b1,
        "W2": W2, "b2": b2,
        "W3": W3, "b3": b3,
        "W4": W4, "b4": b4,
        "triples": triples,
        "labels": labels,
    }


def reference(embed, W0, b0, W1, b1, W2, b2, W3, b3, W4, b4, triples, labels):
    # embedding lookup of 3 word ids per example, then flatten to [B, 3*H]
    e = jnp.take(embed, triples, axis=0)          # [B, 3, H]
    x = e.reshape(e.shape[0], -1)                  # [B, 3*H]
    # dropout p=0.0 -> identity (eval-mode faithful)
    h = jax.nn.relu(x @ W0 + b0)
    h = jax.nn.relu(h @ W1 + b1)
    h = jax.nn.relu(h @ W2 + b2)
    h = jax.nn.relu(h @ W3 + b3)
    pred = h @ W4 + b4                             # [B, 5]
    logp = jax.nn.log_softmax(pred, axis=-1)
    nll = -jnp.take_along_axis(logp, labels[:, None], axis=1).squeeze(-1)
    loss = jnp.mean(nll)
    return (pred, loss)

if __name__ == "__main__":
    import jax
    _d = setup_inputs()
    print(jax.jit(kernel)(*tuple(_d.values())))

</pallas_src>

<mosaic_0001>
#map = affine_map<(d0, d1) -> (0, 0)>
#map1 = affine_map<(d0, d1) -> (0)>
module attributes {stable_mosaic.version = 14 : i64} {
  func.func @_sc_gather(%arg0: i32, %arg1: i32, %arg2: memref<384x2048xf32, #tpu.memory_space<hbm>>, %arg3: memref<12288xi32, #tpu.memory_space<hbm>>, %arg4: memref<4096x2048xf32, #tpu.memory_space<hbm>>, %arg5: memref<384xi32, #tpu.memory_space<vmem>>, %arg6: memref<24x2048xf32, #tpu.memory_space<vmem>>, %arg7: memref<8x2048xf32, #tpu.memory_space<vmem>>, %arg8: memref<!tpu.dma_semaphore, #tpu.memory_space<semaphore_mem>>) attributes {dimension_semantics = [#tpu.dimension_semantics<core_parallel>, #tpu.dimension_semantics<subcore_parallel>], iteration_bounds = array<i64: 2, 16>, scalar_prefetch = 0 : i64, scratch_operands = 4 : i64, tpu.core_type = #tpu.core_type<sc_vector_subcore>, window_params = [{transform_indices = #map}, {transform_indices = #map1}, {transform_indices = #map}]} {
    %mul3A = arith.constant 2 : i32
    %mul3A_0 = arith.muli %arg1, %mul3A : i32
    %add3A = arith.addi %mul3A_0, %arg0 : i32
    %mul3A_1 = arith.constant 384 : i32
    %mul3A_2 = arith.muli %add3A, %mul3A_1 : i32
    "tpu.region"() ({
      %run_scoped3A = tpu.sem_alloc : memref<!tpu.dma_semaphore, #tpu.memory_space<semaphore_mem>>
      %dma_start3A = tpu.memref_slice %arg3[%mul3A_2] : memref<12288xi32, #tpu.memory_space<hbm>> -> memref<384xi32, #tpu.memory_space<hbm>>
      %dma_start3A_8 = tpu.memref_slice %arg3[%mul3A_2] : memref<12288xi32, #tpu.memory_space<hbm>> -> memref<384xi32, #tpu.memory_space<hbm>>
      tpu.enqueue_dma source(%dma_start3A_8 : memref<384xi32, #tpu.memory_space<hbm>>) target(%arg5 : memref<384xi32, #tpu.memory_space<vmem>>) target_semaphore(%run_scoped3A : memref<!tpu.dma_semaphore, #tpu.memory_space<semaphore_mem>>)
      %dma_wait3A = tpu.memref_slice %arg3[%mul3A_2] : memref<12288xi32, #tpu.memory_space<hbm>> -> memref<384xi32, #tpu.memory_space<hbm>>
      %dma_wait3A_9 = tpu.memref_slice %arg3[%mul3A_2] : memref<12288xi32, #tpu.memory_space<hbm>> -> memref<384xi32, #tpu.memory_space<hbm>>
      tpu.wait_dma2 semaphore(%run_scoped3A : memref<!tpu.dma_semaphore, #tpu.memory_space<semaphore_mem>>) src(%dma_wait3A_9 : memref<384xi32, #tpu.memory_space<hbm>>) dst(%arg5 : memref<384xi32, #tpu.memory_space<vmem>>)
      tpu.yield
    }) : () -> ()
    %scan3A = arith.constant 0 : i32
    %scan3A_3 = arith.constant 0 : i32
    %scan3A_4 = arith.constant 16 : i32
    %scan3A_5 = arith.addi %scan3A_3, %scan3A_4 : i32
    %scan3A_6 = arith.constant 1 : i32
    scf.for %scan3A_8 = %scan3A_3 to %scan3A_5 step %scan3A_6  : i32 {
      %mul3A_9 = arith.constant 24 : i32
      %mul3A_10 = arith.muli %scan3A_8, %mul3A_9 : i32
      %dma_start3A = tpu.memref_slice %arg5[%mul3A_10] : memref<384xi32, #tpu.memory_space<vmem>> -> memref<24xi32, #tpu.memory_space<vmem>>
      %dma_start3A_11 = arith.constant 0 : i32
      %dma_start3A_12 = arith.constant 0 : i32
      %dma_start3A_13 = tpu.memref_slice %arg2[%dma_start3A_11, %dma_start3A_12] : memref<384x2048xf32, #tpu.memory_space<hbm>> -> memref<384x2048xf32, #tpu.memory_space<hbm>>
      tpu.enqueue_indirect_dma source(%dma_start3A_13 : memref<384x2048xf32, #tpu.memory_space<hbm>>) target(%arg6 : memref<24x2048xf32, #tpu.memory_space<vmem>>) offsets(%dma_start3A : memref<24xi32, #tpu.memory_space<vmem>>) semaphore(%arg8 : memref<!tpu.dma_semaphore, #tpu.memory_space<semaphore_mem>>)
      %dma_wait3A = tpu.memref_slice %arg5[%mul3A_10] : memref<384xi32, #tpu.memory_space<vmem>> -> memref<24xi32, #tpu.memory_space<vmem>>
      %dma_wait3A_14 = arith.constant 0 : i32
      %dma_wait3A_15 = arith.constant 0 : i32
      %dma_wait3A_16 = tpu.memref_slice %arg2[%dma_wait3A_14, %dma_wait3A_15] : memref<384x2048xf32, #tpu.memory_space<hbm>> -> memref<384x2048xf32, #tpu.memory_space<hbm>>
      tpu.wait_indirect_dma semaphore(%arg8 : memref<!tpu.dma_semaphore, #tpu.memory_space<semaphore_mem>>) src(%dma_wait3A_16 : memref<384x2048xf32, #tpu.memory_space<hbm>>) dst(%arg6 : memref<24x2048xf32, #tpu.memory_space<vmem>>)
      %scan3A_17 = arith.constant 0 : i32
      %scan3A_18 = arith.constant 0 : i32
      %scan3A_19 = arith.constant 128 : i32
      %scan3A_20 = arith.addi %scan3A_18, %scan3A_19 : i32
      %scan3A_21 = arith.constant 1 : i32
      scf.for %scan3A_28 = %scan3A_18 to %scan3A_20 step %scan3A_21  : i32 {
        %mul3A_29 = arith.constant 16 : i32
        %mul3A_30 = arith.muli %scan3A_28, %mul3A_29 : i32
        %get3A = arith.constant 0 : i32
        %get3A_31 = arith.index_cast %get3A : i32 to index
        %get3A_32 = arith.index_cast %mul3A_30 : i32 to index
        %get3A_33 = tpu.vector_load %arg6[%get3A_31, %get3A_32] {strides = array<i32>} : memref<24x2048xf32, #tpu.memory_space<vmem>>, vector<1x16xf32>,
        %get3A_34 = vector.shape_cast %get3A_33 : vector<1x16xf32> to vector<16xf32>
        %get3A_35 = arith.constant 1 : i32
        %get3A_36 = arith.index_cast %get3A_35 : i32 to index
        %get3A_37 = arith.index_cast %mul3A_30 : i32 to index
        %get3A_38 = tpu.vector_load %arg6[%get3A_36, %get3A_37] {strides = array<i32>} : memref<24x2048xf32, #tpu.memory_space<vmem>>, vector<1x16xf32>,
        %get3A_39 = vector.shape_cast %get3A_38 : vector<1x16xf32> to vector<16xf32>
        %add3A_40 = arith.addf %get3A_34, %get3A_39 : vector<16xf32>
        %get3A_41 = arith.constant 2 : i32
        %get3A_42 = arith.index_cast %get3A_41 : i32 to index
        %get3A_43 = arith.index_cast %mul3A_30 : i32 to index
        %get3A_44 = tpu.vector_load %arg6[%get3A_42, %get3A_43] {strides = array<i32>} : memref<24x2048xf32, #tpu.memory_space<vmem>>, vector<1x16xf32>,
        %get3A_45 = vector.shape_cast %get3A_44 : vector<1x16xf32> to vector<16xf32>
        %add3A_46 = arith.addf %add3A_40, %get3A_45 : vector<16xf32>
        %swap3A = arith.constant 0 : i32
        %swap3A_47 = arith.index_cast %swap3A : i32 to index
        %swap3A_48 = arith.index_cast %mul3A_30 : i32 to index
        %swap3A_49 = tpu.vector_load %arg7[%swap3A_47, %swap3A_48] {strides = array<i32>} : memref<8x2048xf32, #tpu.memory_space<vmem>>, vector<1x16xf32>,
        %swap3A_50 = vector.shape_cast %swap3A_49 : vector<1x16xf32> to vector<16xf32>
        %swap3A_51 = vector.shape_cast %add3A_46 : vector<16xf32> to vector<1x16xf32>
        tpu.vector_store %arg7[%swap3A_47, %swap3A_48], %swap3A_51 {strides = array<i32>} : memref<8x2048xf32, #tpu.memory_space<vmem>>, vector<1x16xf32>,
        %get3A_52 = arith.constant 3 : i32
        %get3A_53 = arith.index_cast %get3A_52 : i32 to index
        %get3A_54 = arith.index_cast %mul3A_30 : i32 to index
        %get3A_55 = tpu.vector_load %arg6[%get3A_53, %get3A_54] {strides = array<i32>} : memref<24x2048xf32, #tpu.memory_space<vmem>>, vector<1x16xf32>,
        %get3A_56 = vector.shape_cast %get3A_55 : vector<1x16xf32> to vector<16xf32>
        %get3A_57 = arith.constant 4 : i32
        %get3A_58 = arith.index_cast %get3A_57 : i32 to index
        %get3A_59 = arith.index_cast %mul3A_30 : i32 to index
        %get3A_60 = tpu.vector_load %arg6[%get3A_58, %get3A_59] {strides = array<i32>} : memref<24x2048xf32, #tpu.memory_space<vmem>>, vector<1x16xf32>,
        %get3A_61 = vector.shape_cast %get3A_60 : vector<1x16xf32> to vector<16xf32>
        %add3A_62 = arith.addf %get3A_56, %get3A_61 : vector<16xf32>
        %get3A_63 = arith.constant 5 : i32
        %get3A_64 = arith.index_cast %get3A_63 : i32 to index
        %get3A_65 = arith.index_cast %mul3A_30 : i32 to index
        %get3A_66 = tpu.vector_load %arg6[%get3A_64, %get3A_65] {strides = array<i32>} : memref<24x2048xf32, #tpu.memory_space<vmem>>, vector<1x16xf32>,
        %get3A_67 = vector.shape_cast %get3A_66 : vector<1x16xf32> to vector<16xf32>
        %add3A_68 = arith.addf %add3A_62, %get3A_67 : vector<16xf32>
        %swap3A_69 = arith.constant 1 : i32
        %swap3A_70 = arith.index_cast %swap3A_69 : i32 to index
        %swap3A_71 = arith.index_cast %mul3A_30 : i32 to index
        %swap3A_72 = tpu.vector_load %arg7[%swap3A_70, %swap3A_71] {strides = array<i32>} : memref<8x2048xf32, #tpu.memory_space<vmem>>, vector<1x16xf32>,
        %swap3A_73 = vector.shape_cast %swap3A_72 : vector<1x16xf32> to vector<16xf32>
        %swap3A_74 = vector.shape_cast %add3A_68 : vector<16xf32> to vector<1x16xf32>
        tpu.vector_store %arg7[%swap3A_70, %swap3A_71], %swap3A_74 {strides = array<i32>} : memref<8x2048xf32, #tpu.memory_space<vmem>>, vector<1x16xf32>,
        %get3A_75 = arith.constant 6 : i32
        %get3A_76 = arith.index_cast %get3A_75 : i32 to index
        %get3A_77 = arith.index_cast %mul3A_30 : i32 to index
        %get3A_78 = tpu.vector_load %arg6[%get3A_76, %get3A_77] {strides = array<i32>} : memref<24x2048xf32, #tpu.memory_space<vmem>>, vector<1x16xf32>,
        %get3A_79 = vector.shape_cast %get3A_78 : vector<1x16xf32> to vector<16xf32>
        %get3A_80 = arith.constant 7 : i32
        %get3A_81 = arith.index_cast %get3A_80 : i32 to index
        %get3A_82 = arith.index_cast %mul3A_30 : i32 to index
        %get3A_83 = tpu.vector_load %arg6[%get3A_81, %get3A_82] {strides = array<i32>} : memref<24x2048xf32, #tpu.memory_space<vmem>>, vector<1x16xf32>,
        %get3A_84 = vector.shape_cast %get3A_83 : vector<1x16xf32> to vector<16xf32>
        %add3A_85 = arith.addf %get3A_79, %get3A_84 : vector<16xf32>
        %get3A_86 = arith.constant 8 : i32
        %get3A_87 = arith.index_cast %get3A_86 : i32 to index
        %get3A_88 = arith.index_cast %mul3A_30 : i32 to index
        %get3A_89 = tpu.vector_load %arg6[%get3A_87, %get3A_88] {strides = array<i32>} : memref<24x2048xf32, #tpu.memory_space<vmem>>, vector<1x16xf32>,
        %get3A_90 = vector.shape_cast %get3A_89 : vector<1x16xf32> to vector<16xf32>
        %add3A_91 = arith.addf %add3A_85, %get3A_90 : vector<16xf32>
        %swap3A_92 = arith.constant 2 : i32
        %swap3A_93 = arith.index_cast %swap3A_92 : i32 to index
        %swap3A_94 = arith.index_cast %mul3A_30 : i32 to index
        %swap3A_95 = tpu.vector_load %arg7[%swap3A_93, %swap3A_94] {strides = array<i32>} : memref<8x2048xf32, #tpu.memory_space<vmem>>, vector<1x16xf32>,
        %swap3A_96 = vector.shape_cast %swap3A_95 : vector<1x16xf32> to vector<16xf32>
        %swap3A_97 = vector.shape_cast %add3A_91 : vector<16xf32> to vector<1x16xf32>
        tpu.vector_store %arg7[%swap3A_93, %swap3A_94], %swap3A_97 {strides = array<i32>} : memref<8x2048xf32, #tpu.memory_space<vmem>>, vector<1x16xf32>,
        %get3A_98 = arith.constant 9 : i32
        %get3A_99 = arith.index_cast %get3A_98 : i32 to index
        %get3A_100 = arith.index_cast %mul3A_30 : i32 to index
        %get3A_101 = tpu.vector_load %arg6[%get3A_99, %get3A_100] {strides = array<i32>} : memref<24x2048xf32, #tpu.memory_space<vmem>>, vector<1x16xf32>,
        %get3A_102 = vector.shape_cast %get3A_101 : vector<1x16xf32> to vector<16xf32>
        %get3A_103 = arith.constant 10 : i32
        %get3A_104 = arith.index_cast %get3A_103 : i32 to index
        %get3A_105 = arith.index_cast %mul3A_30 : i32 to index
        %get3A_106 = tpu.vector_load %arg6[%get3A_104, %get3A_105] {strides = array<i32>} : memref<24x2048xf32, #tpu.memory_space<vmem>>, vector<1x16xf32>,
        %get3A_107 = vector.shape_cast %get3A_106 : vector<1x16xf32> to vector<16xf32>
        %add3A_108 = arith.addf %get3A_102, %get3A_107 : vector<16xf32>
        %get3A_109 = arith.constant 11 : i32
        %get3A_110 = arith.index_cast %get3A_109 : i32 to index
        %get3A_111 = arith.index_cast %mul3A_30 : i32 to index
        %get3A_112 = tpu.vector_load %arg6[%get3A_110, %get3A_111] {strides = array<i32>} : memref<24x2048xf32, #tpu.memory_space<vmem>>, vector<1x16xf32>,
        %get3A_113 = vector.shape_cast %get3A_112 : vector<1x16xf32> to vector<16xf32>
        %add3A_114 = arith.addf %add3A_108, %get3A_113 : vector<16xf32>
        %swap3A_115 = arith.constant 3 : i32
        %swap3A_116 = arith.index_cast %swap3A_115 : i32 to index
        %swap3A_117 = arith.index_cast %mul3A_30 : i32 to index
        %swap3A_118 = tpu.vector_load %arg7[%swap3A_116, %swap3A_117] {strides = array<i32>} : memref<8x2048xf32, #tpu.memory_space<vmem>>, vector<1x16xf32>,
        %swap3A_119 = vector.shape_cast %swap3A_118 : vector<1x16xf32> to vector<16xf32>
        %swap3A_120 = vector.shape_cast %add3A_114 : vector<16xf32> to vector<1x16xf32>
        tpu.vector_store %arg7[%swap3A_116, %swap3A_117], %swap3A_120 {strides = array<i32>} : memref<8x2048xf32, #tpu.memory_space<vmem>>, vector<1x16xf32>,
        %get3A_121 = arith.constant 12 : i32
        %get3A_122 = arith.index_cast %get3A_121 : i32 to index
        %get3A_123 = arith.index_cast %mul3A_30 : i32 to index
        %get3A_124 = tpu.vector_load %arg6[%get3A_122, %get3A_123] {strides = array<i32>} : memref<24x2048xf32, #tpu.memory_space<vmem>>, vector<1x16xf32>,
        %get3A_125 = vector.shape_cast %get3A_124 : vector<1x16xf32> to vector<16xf32>
        %get3A_126 = arith.constant 13 : i32
        %get3A_127 = arith.index_cast %get3A_126 : i32 to index
        %get3A_128 = arith.index_cast %mul3A_30 : i32 to index
        %get3A_129 = tpu.vector_load %arg6[%get3A_127, %get3A_128] {strides = array<i32>} : memref<24x2048xf32, #tpu.memory_space<vmem>>, vector<1x16xf32>,
        %get3A_130 = vector.shape_cast %get3A_129 : vector<1x16xf32> to vector<16xf32>
        %add3A_131 = arith.addf %get3A_125, %get3A_130 : vector<16xf32>
        %get3A_132 = arith.constant 14 : i32
        %get3A_133 = arith.index_cast %get3A_132 : i32 to index
        %get3A_134 = arith.index_cast %mul3A_30 : i32 to index
        %get3A_135 = tpu.vector_load %arg6[%get3A_133, %get3A_134] {strides = array<i32>} : memref<24x2048xf32, #tpu.memory_space<vmem>>, vector<1x16xf32>,
        %get3A_136 = vector.shape_cast %get3A_135 : vector<1x16xf32> to vector<16xf32>
        %add3A_137 = arith.addf %add3A_131, %get3A_136 : vector<16xf32>
        %swap3A_138 = arith.constant 4 : i32
        %swap3A_139 = arith.index_cast %swap3A_138 : i32 to index
        %swap3A_140 = arith.index_cast %mul3A_30 : i32 to index
        %swap3A_141 = tpu.vector_load %arg7[%swap3A_139, %swap3A_140] {strides = array<i32>} : memref<8x2048xf32, #tpu.memory_space<vmem>>, vector<1x16xf32>,
        %swap3A_142 = vector.shape_cast %swap3A_141 : vector<1x16xf32> to vector<16xf32>
        %swap3A_143 = vector.shape_cast %add3A_137 : vector<16xf32> to vector<1x16xf32>
        tpu.vector_store %arg7[%swap3A_139, %swap3A_140], %swap3A_143 {strides = array<i32>} : memref<8x2048xf32, #tpu.memory_space<vmem>>, vector<1x16xf32>,
        %get3A_144 = arith.constant 15 : i32
        %get3A_145 = arith.index_cast %get3A_144 : i32 to index
        %get3A_146 = arith.index_cast %mul3A_30 : i32 to index
        %get3A_147 = tpu.vector_load %arg6[%get3A_145, %get3A_146] {strides = array<i32>} : memref<24x2048xf32, #tpu.memory_space<vmem>>, vector<1x16xf32>,
        %get3A_148 = vector.shape_cast %get3A_147 : vector<1x16xf32> to vector<16xf32>
        %get3A_149 = arith.constant 16 : i32
        %get3A_150 = arith.index_cast %get3A_149 : i32 to index
        %get3A_151 = arith.index_cast %mul3A_30 : i32 to index
        %get3A_152 = tpu.vector_load %arg6[%get3A_150, %get3A_151] {strides = array<i32>} : memref<24x2048xf32, #tpu.memory_space<vmem>>, vector<1x16xf32>,
        %get3A_153 = vector.shape_cast %get3A_152 : vector<1x16xf32> to vector<16xf32>
        %add3A_154 = arith.addf %get3A_148, %get3A_153 : vector<16xf32>
        %get3A_155 = arith.constant 17 : i32
        %get3A_156 = arith.index_cast %get3A_155 : i32 to index
        %get3A_157 = arith.index_cast %mul3A_30 : i32 to index
        %get3A_158 = tpu.vector_load %arg6[%get3A_156, %get3A_157] {strides = array<i32>} : memref<24x2048xf32, #tpu.memory_space<vmem>>, vector<1x16xf32>,
        %get3A_159 = vector.shape_cast %get3A_158 : vector<1x16xf32> to vector<16xf32>
        %add3A_160 = arith.addf %add3A_154, %get3A_159 : vector<16xf32>
        %swap3A_161 = arith.constant 5 : i32
        %swap3A_162 = arith.index_cast %swap3A_161 : i32 to index
        %swap3A_163 = arith.index_cast %mul3A_30 : i32 to index
        %swap3A_164 = tpu.vector_load %arg7[%swap3A_162, %swap3A_163] {strides = array<i32>} : memref<8x2048xf32, #tpu.memory_space<vmem>>, vector<1x16xf32>,
        %swap3A_165 = vector.shape_cast %swap3A_164 : vector<1x16xf32> to vector<16xf32>
        %swap3A_166 = vector.shape_cast %add3A_160 : vector<16xf32> to vector<1x16xf32>
        tpu.vector_store %arg7[%swap3A_162, %swap3A_163], %swap3A_166 {strides = array<i32>} : memref<8x2048xf32, #tpu.memory_space<vmem>>, vector<1x16xf32>,
        %get3A_167 = arith.constant 18 : i32
        %get3A_168 = arith.index_cast %get3A_167 : i32 to index
        %get3A_169 = arith.index_cast %mul3A_30 : i32 to index
        %get3A_170 = tpu.vector_load %arg6[%get3A_168, %get3A_169] {strides = array<i32>} : memref<24x2048xf32, #tpu.memory_space<vmem>>, vector<1x16xf32>,
        %get3A_171 = vector.shape_cast %get3A_170 : vector<1x16xf32> to vector<16xf32>
        %get3A_172 = arith.constant 19 : i32
        %get3A_173 = arith.index_cast %get3A_172 : i32 to index
        %get3A_174 = arith.index_cast %mul3A_30 : i32 to index
        %get3A_175 = tpu.vector_load %arg6[%get3A_173, %get3A_174] {strides = array<i32>} : memref<24x2048xf32, #tpu.memory_space<vmem>>, vector<1x16xf32>,
        %get3A_176 = vector.shape_cast %get3A_175 : vector<1x16xf32> to vector<16xf32>
        %add3A_177 = arith.addf %get3A_171, %get3A_176 : vector<16xf32>
        %get3A_178 = arith.constant 20 : i32
        %get3A_179 = arith.index_cast %get3A_178 : i32 to index
        %get3A_180 = arith.index_cast %mul3A_30 : i32 to index
        %get3A_181 = tpu.vector_load %arg6[%get3A_179, %get3A_180] {strides = array<i32>} : memref<24x2048xf32, #tpu.memory_space<vmem>>, vector<1x16xf32>,
        %get3A_182 = vector.shape_cast %get3A_181 : vector<1x16xf32> to vector<16xf32>
        %add3A_183 = arith.addf %add3A_177, %get3A_182 : vector<16xf32>
        %swap3A_184 = arith.constant 6 : i32
        %swap3A_185 = arith.index_cast %swap3A_184 : i32 to index
        %swap3A_186 = arith.index_cast %mul3A_30 : i32 to index
        %swap3A_187 = tpu.vector_load %arg7[%swap3A_185, %swap3A_186] {strides = array<i32>} : memref<8x2048xf32, #tpu.memory_space<vmem>>, vector<1x16xf32>,
        %swap3A_188 = vector.shape_cast %swap3A_187 : vector<1x16xf32> to vector<16xf32>
        %swap3A_189 = vector.shape_cast %add3A_183 : vector<16xf32> to vector<1x16xf32>
        tpu.vector_store %arg7[%swap3A_185, %swap3A_186], %swap3A_189 {strides = array<i32>} : memref<8x2048xf32, #tpu.memory_space<vmem>>, vector<1x16xf32>,
        %get3A_190 = arith.constant 21 : i32
        %get3A_191 = arith.index_cast %get3A_190 : i32 to index
        %get3A_192 = arith.index_cast %mul3A_30 : i32 to index
        %get3A_193 = tpu.vector_load %arg6[%get3A_191, %get3A_192] {strides = array<i32>} : memref<24x2048xf32, #tpu.memory_space<vmem>>, vector<1x16xf32>,
        %get3A_194 = vector.shape_cast %get3A_193 : vector<1x16xf32> to vector<16xf32>
        %get3A_195 = arith.constant 22 : i32
        %get3A_196 = arith.index_cast %get3A_195 : i32 to index
        %get3A_197 = arith.index_cast %mul3A_30 : i32 to index
        %get3A_198 = tpu.vector_load %arg6[%get3A_196, %get3A_197] {strides = array<i32>} : memref<24x2048xf32, #tpu.memory_space<vmem>>, vector<1x16xf32>,
        %get3A_199 = vector.shape_cast %get3A_198 : vector<1x16xf32> to vector<16xf32>
        %add3A_200 = arith.addf %get3A_194, %get3A_199 : vector<16xf32>
        %get3A_201 = arith.constant 23 : i32
        %get3A_202 = arith.index_cast %get3A_201 : i32 to index
        %get3A_203 = arith.index_cast %mul3A_30 : i32 to index
        %get3A_204 = tpu.vector_load %arg6[%get3A_202, %get3A_203] {strides = array<i32>} : memref<24x2048xf32, #tpu.memory_space<vmem>>, vector<1x16xf32>,
        %get3A_205 = vector.shape_cast %get3A_204 : vector<1x16xf32> to vector<16xf32>
        %add3A_206 = arith.addf %add3A_200, %get3A_205 : vector<16xf32>
        %swap3A_207 = arith.constant 7 : i32
        %swap3A_208 = arith.index_cast %swap3A_207 : i32 to index
        %swap3A_209 = arith.index_cast %mul3A_30 : i32 to index
        %swap3A_210 = tpu.vector_load %arg7[%swap3A_208, %swap3A_209] {strides = array<i32>} : memref<8x2048xf32, #tpu.memory_space<vmem>>, vector<1x16xf32>,
        %swap3A_211 = vector.shape_cast %swap3A_210 : vector<1x16xf32> to vector<16xf32>
        %swap3A_212 = vector.shape_cast %add3A_206 : vector<16xf32> to vector<1x16xf32>
        tpu.vector_store %arg7[%swap3A_208, %swap3A_209], %swap3A_212 {strides = array<i32>} : memref<8x2048xf32, #tpu.memory_space<vmem>>, vector<1x16xf32>,
      }
      %scan3A_22 = arith.constant 128 : i32
      %mul3A_23 = arith.constant 128 : i32
      %mul3A_24 = arith.muli %add3A, %mul3A_23 : i32
      %mul3A_25 = arith.constant 8 : i32
      %mul3A_26 = arith.muli %scan3A_8, %mul3A_25 : i32
      %add3A_27 = arith.addi %mul3A_24, %mul3A_26 : i32
      "tpu.region"() ({
        %run_scoped3A = tpu.sem_alloc : memref<!tpu.dma_semaphore, #tpu.memory_space<semaphore_mem>>
        %dma_start3A_28 = arith.constant 0 : i32
        %dma_start3A_29 = tpu.memref_slice %arg4[%add3A_27, %dma_start3A_28] : memref<4096x2048xf32, #tpu.memory_space<hbm>> -> memref<8x2048xf32, #tpu.memory_space<hbm>>
        %dma_start3A_30 = arith.constant 0 : i32
        %dma_start3A_31 = tpu.memref_slice %arg4[%add3A_27, %dma_start3A_30] : memref<4096x2048xf32, #tpu.memory_space<hbm>> -> memref<8x2048xf32, #tpu.memory_space<hbm>>
        tpu.enqueue_dma source(%arg7 : memref<8x2048xf32, #tpu.memory_space<vmem>>) target(%dma_start3A_31 : memref<8x2048xf32, #tpu.memory_space<hbm>>) target_semaphore(%run_scoped3A : memref<!tpu.dma_semaphore, #tpu.memory_space<semaphore_mem>>)
        %dma_wait3A_32 = arith.constant 0 : i32
        %dma_wait3A_33 = tpu.memref_slice %arg4[%add3A_27, %dma_wait3A_32] : memref<4096x2048xf32, #tpu.memory_space<hbm>> -> memref<8x2048xf32, #tpu.memory_space<hbm>>
        %dma_wait3A_34 = arith.constant 0 : i32
        %dma_wait3A_35 = tpu.memref_slice %arg4[%add3A_27, %dma_wait3A_34] : memref<4096x2048xf32, #tpu.memory_space<hbm>> -> memref<8x2048xf32, #tpu.memory_space<hbm>>
        tpu.wait_dma2 semaphore(%run_scoped3A : memref<!tpu.dma_semaphore, #tpu.memory_space<semaphore_mem>>) src(%arg7 : memref<8x2048xf32, #tpu.memory_space<vmem>>) dst(%dma_wait3A_35 : memref<8x2048xf32, #tpu.memory_space<hbm>>)
        tpu.yield
      }) : () -> ()
    }
    %scan3A_7 = arith.constant 16 : i32
    return
  }
}

module attributes {stable_mosaic.version = 14 : i64} {
  func.func @_fold_kernel(%arg0: i32, %arg1: memref<128x2048xf32, #tpu.memory_space<vmem>>, %arg2: memref<1x2048x2048xf32, #tpu.memory_space<vmem>>, %arg3: memref<1x128x2048xf32, #tpu.memory_space<vmem>>) attributes {dimension_semantics = [#tpu.dimension_semantics<arbitrary>], iteration_bounds = array<i64: 3>, scalar_prefetch = 0 : i64, scratch_operands = 0 : i64, tpu.core_type = #tpu.core_type<tc>, window_params = [{pipeline_mode = #tpu.pipeline_mode<synchronous>, transform_indices = @transform_0, window_bounds = array<i64: 128, 2048>}, {transform_indices = @transform_1, window_bounds = array<i64: 1, 2048, 2048>}, {transform_indices = @transform_2, window_bounds = array<i64: 1, 128, 2048>}]} {
    %get3A = arith.constant 0 : index
    %get3A_0 = arith.constant 0 : index
    %get3A_1 = vector.load %arg1[%get3A, %get3A_0] : memref<128x2048xf32, #tpu.memory_space<vmem>>, vector<128x2048xf32>
    %get3A_2 = arith.constant 0 : index
    %get3A_3 = arith.constant 0 : index
    %get3A_4 = arith.constant 0 : index
    %get3A_5 = vector.load %arg2[%get3A_2, %get3A_3, %get3A_4] : memref<1x2048x2048xf32, #tpu.memory_space<vmem>>, vector<1x2048x2048xf32>
    %get3A_6 = vector.shape_cast %get3A_5 : vector<1x2048x2048xf32> to vector<2048x2048xf32>
    %dot_general3A = arith.constant dense<0.000000e+00> : vector<128x2048xf32>
    %dot_general3A_7 = tpu.matmul %get3A_1, %get3A_6, %dot_general3A {dimension_numbers = #tpu.dot_dimension_numbers<[1], [0], [0], [1], [0, 0, 1, 1], [], []>, transpose_lhs_hint = false} : vector<128x2048xf32>, vector<2048x2048xf32>, vector<128x2048xf32> -> vector<128x2048xf32>
    %swap3A = arith.constant 0 : index
    %swap3A_8 = arith.constant 0 : index
    %swap3A_9 = arith.constant 0 : index
    %swap3A_10 = vector.load %arg3[%swap3A, %swap3A_8, %swap3A_9] : memref<1x128x2048xf32, #tpu.memory_space<vmem>>, vector<1x128x2048xf32>
    %swap3A_11 = vector.shape_cast %swap3A_10 : vector<1x128x2048xf32> to vector<128x2048xf32>
    %swap3A_12 = vector.shape_cast %dot_general3A_7 : vector<128x2048xf32> to vector<1x128x2048xf32>
    tpu.vector_store %arg3[%swap3A, %swap3A_8, %swap3A_9], %swap3A_12 {strides = array<i32>} : memref<1x128x2048xf32, #tpu.memory_space<vmem>>, vector<1x128x2048xf32>,
    return
  }
  func.func @transform_0(%arg0: i32) -> (i32, i32) {
    %c0_i32 = arith.constant 0 : i32
    %c0_i32_0 = arith.constant 0 : i32
    %c0_i32_1 = arith.constant 0 : i32
    return %c0_i32, %c0_i32_0 : i32, i32
  }
  func.func @transform_1(%arg0: i32) -> (i32, i32, i32) {
    %c0_i32 = arith.constant 0 : i32
    %c0_i32_0 = arith.constant 0 : i32
    %c0_i32_1 = arith.constant 0 : i32
    return %arg0, %c0_i32, %c0_i32_0 : i32, i32, i32
  }
  func.func @transform_2(%arg0: i32) -> (i32, i32, i32) {
    %c0_i32 = arith.constant 0 : i32
    %c0_i32_0 = arith.constant 0 : i32
    %c0_i32_1 = arith.constant 0 : i32
    return %arg0, %c0_i32, %c0_i32_0 : i32, i32, i32
  }
}

module attributes {stable_mosaic.version = 14 : i64} {
  func.func @_mlp_kernel(%arg0: i32, %arg1: memref<256x2048xf32, #tpu.memory_space<vmem>>, %arg2: memref<256x1xi32, #tpu.memory_space<vmem>>, %arg3: memref<1x2048xf32, #tpu.memory_space<vmem>>, %arg4: memref<2048x2048xf32, #tpu.memory_space<vmem>>, %arg5: memref<1x2048xf32, #tpu.memory_space<vmem>>, %arg6: memref<2048x2048xf32, #tpu.memory_space<vmem>>, %arg7: memref<1x2048xf32, #tpu.memory_space<vmem>>, %arg8: memref<2048x2048xf32, #tpu.memory_space<vmem>>, %arg9: memref<1x2048xf32, #tpu.memory_space<vmem>>, %arg10: memref<2048x128xf32, #tpu.memory_space<vmem>>, %arg11: memref<1x128xf32, #tpu.memory_space<vmem>>, %arg12: memref<256x128xf32, #tpu.memory_space<vmem>>, %arg13: memref<1x1x1xf32, #tpu.memory_space<smem>>) attributes {dimension_semantics = [#tpu.dimension_semantics<parallel>], iteration_bounds = array<i64: 16>, scalar_prefetch = 0 : i64, scratch_operands = 0 : i64, tpu.core_type = #tpu.core_type<tc>, window_params = [{transform_indices = @transform_0, window_bounds = array<i64: 256, 2048>}, {transform_indices = @transform_1, window_bounds = array<i64: 256, 1>}, {pipeline_mode = #tpu.pipeline_mode<synchronous>, transform_indices = @transform_2, window_bounds = array<i64: 1, 2048>}, {pipeline_mode = #tpu.pipeline_mode<synchronous>, transform_indices = @transform_3, window_bounds = array<i64: 2048, 2048>}, {pipeline_mode = #tpu.pipeline_mode<synchronous>, transform_indices = @transform_4, window_bounds = array<i64: 1, 2048>}, {pipeline_mode = #tpu.pipeline_mode<synchronous>, transform_indices = @transform_5, window_bounds = array<i64: 2048, 2048>}, {pipeline_mode = #tpu.pipeline_mode<synchronous>, transform_indices = @transform_6, window_bounds = array<i64: 1, 2048>}, {pipeline_mode = #tpu.pipeline_mode<synchronous>, transform_indices = @transform_7, window_bounds = array<i64: 2048, 2048>}, {pipeline_mode = #tpu.pipeline_mode<synchronous>, transform_indices = @transform_8, window_bounds = array<i64: 1, 2048>}, {pipeline_mode = #tpu.pipeline_mode<synchronous>, transform_indices = @transform_9, window_bounds = array<i64: 2048, 128>}, {pipeline_mode = #tpu.pipeline_mode<synchronous>, transform_indices = @transform_10, window_bounds = array<i64: 1, 128>}, {transform_indices = @transform_11, window_bounds = array<i64: 256, 128>}, {transform_indices = @transform_12, window_bounds = array<i64: 1, 1, 1>}]} {
    %get3A = arith.constant 0 : index
    %get3A_0 = arith.constant 0 : index
    %get3A_1 = vector.load %arg1[%get3A, %get3A_0] : memref<256x2048xf32, #tpu.memory_space<vmem>>, vector<256x2048xf32>
    %get3A_2 = arith.constant 0 : index
    %get3A_3 = arith.constant 0 : index
    %get3A_4 = vector.load %arg3[%get3A_2, %get3A_3] : memref<1x2048xf32, #tpu.memory_space<vmem>>, vector<1x2048xf32>
    %add3A = vector.broadcast %get3A_4 : vector<1x2048xf32> to vector<256x2048xf32>
    %add3A_5 = arith.addf %get3A_1, %add3A : vector<256x2048xf32>
    %max3A = arith.constant 0.000000e+00 : f32
    %max3A_6 = vector.broadcast %max3A : f32 to vector<256x2048xf32>
    %max3A_7 = arith.maximumf %add3A_5, %max3A_6 : vector<256x2048xf32>
    %get3A_8 = arith.constant 0 : index
    %get3A_9 = arith.constant 0 : index
    %get3A_10 = vector.load %arg4[%get3A_8, %get3A_9] : memref<2048x2048xf32, #tpu.memory_space<vmem>>, vector<2048x2048xf32>
    %dot_general3A = arith.constant dense<0.000000e+00> : vector<256x2048xf32>
    %dot_general3A_11 = tpu.matmul %max3A_7, %get3A_10, %dot_general3A {dimension_numbers = #tpu.dot_dimension_numbers<[1], [0], [0], [1], [0, 0, 1, 1], [], []>, transpose_lhs_hint = false} : vector<256x2048xf32>, vector<2048x2048xf32>, vector<256x2048xf32> -> vector<256x2048xf32>
    %get3A_12 = arith.constant 0 : index
    %get3A_13 = arith.constant 0 : index
    %get3A_14 = vector.load %arg5[%get3A_12, %get3A_13] : memref<1x2048xf32, #tpu.memory_space<vmem>>, vector<1x2048xf32>
    %add3A_15 = vector.broadcast %get3A_14 : vector<1x2048xf32> to vector<256x2048xf32>
    %add3A_16 = arith.addf %dot_general3A_11, %add3A_15 : vector<256x2048xf32>
    %max3A_17 = arith.constant 0.000000e+00 : f32
    %max3A_18 = vector.broadcast %max3A_17 : f32 to vector<256x2048xf32>
    %max3A_19 = arith.maximumf %add3A_16, %max3A_18 : vector<256x2048xf32>
    %get3A_20 = arith.constant 0 : index
    %get3A_21 = arith.constant 0 : index
    %get3A_22 = vector.load %arg6[%get3A_20, %get3A_21] : memref<2048x2048xf32, #tpu.memory_space<vmem>>, vector<2048x2048xf32>
    %dot_general3A_23 = arith.constant dense<0.000000e+00> : vector<256x2048xf32>
    %dot_general3A_24 = tpu.matmul %max3A_19, %get3A_22, %dot_general3A_23 {dimension_numbers = #tpu.dot_dimension_numbers<[1], [0], [0], [1], [0, 0, 1, 1], [], []>, transpose_lhs_hint = false} : vector<256x2048xf32>, vector<2048x2048xf32>, vector<256x2048xf32> -> vector<256x2048xf32>
    %get3A_25 = arith.constant 0 : index
    %get3A_26 = arith.constant 0 : index
    %get3A_27 = vector.load %arg7[%get3A_25, %get3A_26] : memref<1x2048xf32, #tpu.memory_space<vmem>>, vector<1x2048xf32>
    %add3A_28 = vector.broadcast %get3A_27 : vector<1x2048xf32> to vector<256x2048xf32>
    %add3A_29 = arith.addf %dot_general3A_24, %add3A_28 : vector<256x2048xf32>
    %max3A_30 = arith.constant 0.000000e+00 : f32
    %max3A_31 = vector.broadcast %max3A_30 : f32 to vector<256x2048xf32>
    %max3A_32 = arith.maximumf %add3A_29, %max3A_31 : vector<256x2048xf32>
    %get3A_33 = arith.constant 0 : index
    %get3A_34 = arith.constant 0 : index
    %get3A_35 = vector.load %arg8[%get3A_33, %get3A_34] : memref<2048x2048xf32, #tpu.memory_space<vmem>>, vector<2048x2048xf32>
    %dot_general3A_36 = arith.constant dense<0.000000e+00> : vector<256x2048xf32>
    %dot_general3A_37 = tpu.matmul %max3A_32, %get3A_35, %dot_general3A_36 {dimension_numbers = #tpu.dot_dimension_numbers<[1], [0], [0], [1], [0, 0, 1, 1], [], []>, transpose_lhs_hint = false} : vector<256x2048xf32>, vector<2048x2048xf32>, vector<256x2048xf32> -> vector<256x2048xf32>
    %get3A_38 = arith.constant 0 : index
    %get3A_39 = arith.constant 0 : index
    %get3A_40 = vector.load %arg9[%get3A_38, %get3A_39] : memref<1x2048xf32, #tpu.memory_space<vmem>>, vector<1x2048xf32>
    %add3A_41 = vector.broadcast %get3A_40 : vector<1x2048xf32> to vector<256x2048xf32>
    %add3A_42 = arith.addf %dot_general3A_37, %add3A_41 : vector<256x2048xf32>
    %max3A_43 = arith.constant 0.000000e+00 : f32
    %max3A_44 = vector.broadcast %max3A_43 : f32 to vector<256x2048xf32>
    %max3A_45 = arith.maximumf %add3A_42, %max3A_44 : vector<256x2048xf32>
    %get3A_46 = arith.constant 0 : index
    %get3A_47 = arith.constant 0 : index
    %get3A_48 = vector.load %arg10[%get3A_46, %get3A_47] : memref<2048x128xf32, #tpu.memory_space<vmem>>, vector<2048x128xf32>
    %dot_general3A_49 = arith.constant dense<0.000000e+00> : vector<256x128xf32>
    %dot_general3A_50 = tpu.matmul %max3A_45, %get3A_48, %dot_general3A_49 {dimension_numbers = #tpu.dot_dimension_numbers<[1], [0], [0], [1], [0, 0, 1, 1], [], []>, transpose_lhs_hint = false} : vector<256x2048xf32>, vector<2048x128xf32>, vector<256x128xf32> -> vector<256x128xf32>
    %get3A_51 = arith.constant 0 : index
    %get3A_52 = arith.constant 0 : index
    %get3A_53 = vector.load %arg11[%get3A_51, %get3A_52] : memref<1x128xf32, #tpu.memory_space<vmem>>, vector<1x128xf32>
    %add3A_54 = vector.broadcast %get3A_53 : vector<1x128xf32> to vector<256x128xf32>
    %add3A_55 = arith.addf %dot_general3A_50, %add3A_54 : vector<256x128xf32>
    %swap3A = arith.constant 0 : index
    %swap3A_56 = arith.constant 0 : index
    %swap3A_57 = vector.load %arg12[%swap3A, %swap3A_56] : memref<256x128xf32, #tpu.memory_space<vmem>>, vector<256x128xf32>
    tpu.vector_store %arg12[%swap3A, %swap3A_56], %add3A_55 {strides = array<i32>} : memref<256x128xf32, #tpu.memory_space<vmem>>, vector<256x128xf32>,
    %reduce_max3A = arith.constant dense<0xFF800000> : vector<256xf32>
    %reduce_max3A_58 = vector.multi_reduction <maximumf>, %add3A_55, %reduce_max3A [1] : vector<256x128xf32> to vector<256xf32>
    %broadcast_in_dim3A = vector.shape_cast %reduce_max3A_58 : vector<256xf32> to vector<256x1xf32>
    %sub3A = vector.broadcast %broadcast_in_dim3A : vector<256x1xf32> to vector<256x128xf32>
    %sub3A_59 = arith.subf %add3A_55, %sub3A : vector<256x128xf32>
    %exp3A = math.exp %sub3A_59 : vector<256x128xf32>
    %reduce_sum3A = arith.constant dense<0.000000e+00> : vector<256xf32>
    %reduce_sum3A_60 = vector.multi_reduction <add>, %exp3A, %reduce_sum3A [1] : vector<256x128xf32> to vector<256xf32>
    %broadcast_in_dim3A_61 = vector.shape_cast %reduce_sum3A_60 : vector<256xf32> to vector<256x1xf32>
    %log3A = math.log %broadcast_in_dim3A_61 : vector<256x1xf32>
    %add3A_62 = arith.addf %broadcast_in_dim3A, %log3A : vector<256x1xf32>
    %get3A_63 = arith.constant 0 : index
    %get3A_64 = arith.constant 0 : index
    %get3A_65 = vector.load %arg2[%get3A_63, %get3A_64] : memref<256x1xi32, #tpu.memory_space<vmem>>, vector<256x1xi32>
    %iota3A = tpu.iota {dimensions = array<i32: 1>} : vector<256x128xi32>
    %eq3A = vector.broadcast %get3A_65 : vector<256x1xi32> to vector<256x128xi32>
    %eq3A_66 = arith.cmpi eq, %iota3A, %eq3A : vector<256x128xi32>
    %jit3A = arith.constant 0.000000e+00 : f32
    %broadcast_in_dim3A_67 = vector.broadcast %jit3A : f32 to vector<256x128xf32>
    %select_n3A = arith.select %eq3A_66, %add3A_55, %broadcast_in_dim3A_67 : vector<256x128xi1>, vector<256x128xf32>
    %reduce_sum3A_68 = arith.constant dense<0.000000e+00> : vector<256xf32>
    %reduce_sum3A_69 = vector.multi_reduction <add>, %select_n3A, %reduce_sum3A_68 [1] : vector<256x128xf32> to vector<256xf32>
    %broadcast_in_dim3A_70 = vector.shape_cast %reduce_sum3A_69 : vector<256xf32> to vector<256x1xf32>
    %sub3A_71 = arith.subf %add3A_62, %broadcast_in_dim3A_70 : vector<256x1xf32>
    %reduce_sum3A_72 = vector.shape_cast %sub3A_71 : vector<256x1xf32> to vector<1x256x1xf32>
    %reduce_sum3A_73 = arith.constant dense<0.000000e+00> : vector<1xf32>
    %reduce_sum3A_74 = vector.multi_reduction <add>, %reduce_sum3A_72, %reduce_sum3A_73 [1, 2] : vector<1x256x1xf32> to vector<1xf32>
    %reduce_sum3A_75 = vector.shape_cast %reduce_sum3A_74 : vector<1xf32> to vector<1x1x1xf32>
    %reduce_sum3A_76 = vector.extract %reduce_sum3A_75[0, 0, 0] : f32 from vector<1x1x1xf32>
    %mul3A = arith.constant 2.44140625E-4 : f32
    %mul3A_77 = arith.mulf %reduce_sum3A_76, %mul3A : f32
    %swap3A_78 = arith.constant 0 : index
    %swap3A_79 = arith.constant 0 : index
    %swap3A_80 = arith.constant 0 : index
    %swap3A_81 = memref.load %arg13[%swap3A_78, %swap3A_79, %swap3A_80] : memref<1x1x1xf32, #tpu.memory_space<smem>>
    memref.store %mul3A_77, %arg13[%swap3A_78, %swap3A_79, %swap3A_80] : memref<1x1x1xf32, #tpu.memory_space<smem>>
    return
  }
  func.func @transform_0(%arg0: i32) -> (i32, i32) {
    %c0_i32 = arith.constant 0 : i32
    %c0_i32_0 = arith.constant 0 : i32
    return %arg0, %c0_i32 : i32, i32
  }
  func.func @transform_1(%arg0: i32) -> (i32, i32) {
    %c0_i32 = arith.constant 0 : i32
    %c0_i32_0 = arith.constant 0 : i32
    return %arg0, %c0_i32 : i32, i32
  }
  func.func @transform_2(%arg0: i32) -> (i32, i32) {
    %c0_i32 = arith.constant 0 : i32
    %c0_i32_0 = arith.constant 0 : i32
    %c0_i32_1 = arith.constant 0 : i32
    return %c0_i32, %c0_i32_0 : i32, i32
  }
  func.func @transform_3(%arg0: i32) -> (i32, i32) {
    %c0_i32 = arith.constant 0 : i32
    %c0_i32_0 = arith.constant 0 : i32
    %c0_i32_1 = arith.constant 0 : i32
    return %c0_i32, %c0_i32_0 : i32, i32
  }
  func.func @transform_4(%arg0: i32) -> (i32, i32) {
    %c0_i32 = arith.constant 0 : i32
    %c0_i32_0 = arith.constant 0 : i32
    %c0_i32_1 = arith.constant 0 : i32
    return %c0_i32, %c0_i32_0 : i32, i32
  }
  func.func @transform_5(%arg0: i32) -> (i32, i32) {
    %c0_i32 = arith.constant 0 : i32
    %c0_i32_0 = arith.constant 0 : i32
    %c0_i32_1 = arith.constant 0 : i32
    return %c0_i32, %c0_i32_0 : i32, i32
  }
  func.func @transform_6(%arg0: i32) -> (i32, i32) {
    %c0_i32 = arith.constant 0 : i32
    %c0_i32_0 = arith.constant 0 : i32
    %c0_i32_1 = arith.constant 0 : i32
    return %c0_i32, %c0_i32_0 : i32, i32
  }
  func.func @transform_7(%arg0: i32) -> (i32, i32) {
    %c0_i32 = arith.constant 0 : i32
    %c0_i32_0 = arith.constant 0 : i32
    %c0_i32_1 = arith.constant 0 : i32
    return %c0_i32, %c0_i32_0 : i32, i32
  }
  func.func @transform_8(%arg0: i32) -> (i32, i32) {
    %c0_i32 = arith.constant 0 : i32
    %c0_i32_0 = arith.constant 0 : i32
    %c0_i32_1 = arith.constant 0 : i32
    return %c0_i32, %c0_i32_0 : i32, i32
  }
  func.func @transform_9(%arg0: i32) -> (i32, i32) {
    %c0_i32 = arith.constant 0 : i32
    %c0_i32_0 = arith.constant 0 : i32
    %c0_i32_1 = arith.constant 0 : i32
    return %c0_i32, %c0_i32_0 : i32, i32
  }
  func.func @transform_10(%arg0: i32) -> (i32, i32) {
    %c0_i32 = arith.constant 0 : i32
    %c0_i32_0 = arith.constant 0 : i32
    %c0_i32_1 = arith.constant 0 : i32
    return %c0_i32, %c0_i32_0 : i32, i32
  }
  func.func @transform_11(%arg0: i32) -> (i32, i32) {
    %c0_i32 = arith.constant 0 : i32
    %c0_i32_0 = arith.constant 0 : i32
    return %arg0, %c0_i32 : i32, i32
  }
  func.func @transform_12(%arg0: i32) -> (i32, i32, i32) {
    %c0_i32 = arith.constant 0 : i32
    %c0_i32_0 = arith.constant 0 : i32
    %c0_i32_1 = arith.constant 0 : i32
    return %arg0, %c0_i32, %c0_i32_0 : i32, i32, i32
  }
}

</mosaic_0001>

<sc_bundles>
// kernel: kernel.5.cloned.1.call-start
scs
__scs_entry_jumppad:
0x0: {  	(pc) =	sbr.rel $0x88, $3  }
0x1: {  	(tag) =	ssettag $0x0;
	lr =	simm.s32 $0x1  }
0x2: {  	[smem:$0x3F94] =	sst lr;
	_ =	strace $0xD0000000  }
0x3: {  	_ = 	snop  }
0x4: {  	_ = 	snop  }
0x5: {  	_ = 	snop  }
0x6: {  	_ = 	snop  }
0x7: {  	_ = 	snop  }
__scs_overlays_trampoline_lowered:
0x8: {  	[smem:$0x3FA3] =	sst s0  }
0x9: {  	[smem:$0x3FA4] =	sst s1  }
0xa: {  	[smem:$0x3FA5] =	sst s2  }
0xb: {  	[smem:$0x3FA6] =	sst s3  }
0xc: {  	[smem:$0x3FA7] =	sst s4  }
0xd: {  	[smem:$0x3FA8] =	sst s5  }
0xe: {  	[smem:$0x3FA9] =	sst s6  }
0xf: {  	[smem:$0x3FAA] =	sst s7  }
0x10: {  	[smem:$0x3FAB] =	sst s8  }
0x11: {  	[smem:$0x3FAC] =	sst s9;
	s0 =	simm.s32 @!p0 $0x0  }
0x12: {  	s1 =	sld [smem:$0x3F92];
	s0 =	simm.s32 @p0 $0x1  }
0x13: {  	[smem:$0x3FAD] =	sst s0;
	s0 =	simm.s32 @!p1 $0x0  }
0x14: {  	s2 =	sld [smem:$0x3F91];
	s0 =	simm.s32 @p1 $0x1  }
0x15: {  	[smem:$0x3FAE] =	sst s0;
	s0 =	simm.s32 @!p2 $0x0  }
0x16: {  	s3 =	sld [smem:$0x3FDB];
	s0 =	simm.s32 @p2 $0x1  }
0x17: {  	s4 =	simm.s32 $0x1BF5;
	[smem:$0x3FB0] =	sst s0  }
0x18: {  	s0 =	sld [smem:$0x3F93];
	_ =	swait.ge [sflag:s4], $0x0  }
0x19: {  	s7 =	sld [smem:$0x3F94]  }
0x1a: {  	s8 =	sadd.s32 $0xFFFFE003, lr  }
0x1b: {  	s9 =	sadd.s32 $0xFFFFFEF7, lr;
	s5 =	simm.s32 $0xFFFFFFFF;
	p2 =	slt.u32 s8, $0xFFFFF086  }
0x1c: {  	p1 =	slt.u32 s9, $0xF7A;
	s5 =	simm.s32 @!p2 $0x0  }
0x1d: {  	s5 =	simm.s32 @p1 $0x1;
	p0 =	seq.s32 s7, s2  }
0x1e: {  	s7 =	smul.u32 @!p0 $0xF7A, s2;
	p2 =	seq.s32 @!p0 s5, $0x0  }
0x1f: {  	s9 =	smul.u32 $0xF7A, s1;
	s8 =	simm.s32 @!p0 $0x1BF5;
	p2 =	por !p2, p0  }
0x20: {  	[sflag:s8] =	ssyncset.s32 @!p0 $0xFFFFF086;
	s6 =	sadd.s32 @!p0 s3, s7;
	s7 =	simm.s32 @!p0 $0x108  }
0x21: {  	s3 =	sadd.s32 s3, s9;
	s6 =	sadd.s32 @!p0 $0x88, s6;
	s7 =	simm.s32 @p2 $0x1082  }
0x22: {  	[simem:s7], [sflag:s8] =	dma.local @!p0 [hbm:s6], $0xF7A  }
0x23: {  	s9 =	sor.u32 $0xD0000000, s2;
	s6 =	simm.s32 $0x108;
	_ =	swait.ge @!p0 [sflag:s8], $0x0  }
0x24: {  	s3 =	sadd.s32 $0x88, s3;
	s6 =	simm.s32 @!p1 $0x1082;
	[sflag:s4] =	ssyncset.s32 $0xFFFFF086  }
0x25: {  	[simem:s6], [sflag:s4] =	dma.local [hbm:s3], $0xF7A  }
0x26: {  	[smem:$0x3F94] =	sst s1;
	(tag) =	ssettag s2;
	_ =	strace s9  }
0x27: {  	s1 =	sld [smem:$0x3FA4]  }
0x28: {  	s2 =	sld [smem:$0x3FA5]  }
0x29: {  	s4 =	sld [smem:$0x3FA7]  }
0x2a: {  	p0 =	seq.s32 s5, $0x0;
	s5 =	sld [smem:$0x3FA8]  }
0x2b: {  	s6 =	sld [smem:$0x3FA9]  }
0x2c: {  	s7 =	sld [smem:$0x3FAA]  }
0x2d: {  	s3 =	simm.s32 $0x108;
	s8 =	sld [smem:$0x3FAB]  }
0x2e: {  	s3 =	simm.s32 @!p0 $0x1082;
	s9 =	sld [smem:$0x3FAC]  }
0x2f: {  	lr =	sadd.s32 s0, s3;
	s0 =	sld [smem:$0x3FA3]  }
0x30: {  	s3 =	sld [smem:$0x3FA6]  }
0x31: {  	[smem:$0x3FAF] =	sst s10  }
0x32: {  	s10 =	sld [smem:$0x3FAD];
	_ =	sdelay $0x3  }
0x33: {  	p0 =	seq.s32 s10, $0x1;
	s10 =	sld [smem:$0x3FAF];
	_ =	sdelay $0x3  }
0x34: {  	[smem:$0x3FAF] =	sst s10  }
0x35: {  	s10 =	sld [smem:$0x3FAE];
	_ =	sdelay $0x3  }
0x36: {  	p1 =	seq.s32 s10, $0x1;
	s10 =	sld [smem:$0x3FAF];
	_ =	sdelay $0x3  }
0x37: {  	[smem:$0x3FAF] =	sst s10  }
0x38: {  	s10 =	sld [smem:$0x3FB0]  }
0x39: {  	_ = 	snop;
	(pc) =	sbr.ind lr, $3  }
0x3a: {  	_ = 	snop  }
0x3b: {  	_ = 	snop  }
0x3c: {  	p2 =	seq.s32 s10, $0x1;
	s10 =	sld [smem:$0x3FAF]  }
0x3d: {  	_ =	shalt  }
0x3e: {  	_ =	shalt  }
0x3f: {  	_ =	shalt  }
0x40: {  	_ =	shalt  }
0x41: {  	_ =	shalt  }
0x42: {  	_ =	shalt  }
0x43: {  	_ =	shalt  }
0x44: {  	_ =	shalt  }
0x45: {  	_ =	shalt  }
0x46: {  	_ =	shalt  }
0x47: {  	_ =	shalt  }
0x48: {  	_ =	shalt  }
0x49: {  	_ =	shalt  }
0x4a: {  	_ =	shalt  }
0x4b: {  	_ =	shalt  }
0x4c: {  	_ =	shalt  }
0x4d: {  	_ =	shalt  }
0x4e: {  	_ =	shalt  }
0x4f: {  	_ =	shalt  }
0x50: {  	_ =	shalt  }
0x51: {  	_ =	shalt  }
0x52: {  	_ =	shalt  }
0x53: {  	_ =	shalt  }
0x54: {  	_ =	shalt  }
0x55: {  	_ =	shalt  }
0x56: {  	_ =	shalt  }
0x57: {  	_ =	shalt  }
0x58: {  	_ =	shalt  }
0x59: {  	_ =	shalt  }
0x5a: {  	_ =	shalt  }
0x5b: {  	_ =	shalt  }
0x5c: {  	_ =	shalt  }
0x5d: {  	_ =	shalt  }
0x5e: {  	_ =	shalt  }
0x5f: {  	_ =	shalt  }
0x60: {  	_ =	shalt  }
0x61: {  	_ =	shalt  }
0x62: {  	_ =	shalt  }
0x63: {  	_ =	shalt  }
0x64: {  	_ =	shalt  }
0x65: {  	_ =	shalt  }
0x66: {  	_ =	shalt  }
0x67: {  	_ =	shalt  }
0x68: {  	_ =	shalt  }
0x69: {  	_ =	shalt  }
0x6a: {  	_ =	shalt  }
0x6b: {  	_ =	shalt  }
0x6c: {  	_ =	shalt  }
0x6d: {  	_ =	shalt  }
0x6e: {  	_ =	shalt  }
0x6f: {  	_ =	shalt  }
0x70: {  	_ =	shalt  }
0x71: {  	_ =	shalt  }
0x72: {  	_ =	shalt  }
0x73: {  	_ =	shalt  }
0x74: {  	_ =	shalt  }
0x75: {  	_ =	shalt  }
0x76: {  	_ =	shalt  }
0x77: {  	_ =	shalt  }
0x78: {  	_ =	shalt  }
0x79: {  	_ =	shalt  }
0x7a: {  	_ =	shalt  }
0x7b: {  	_ =	shalt  }
0x7c: {  	_ =	shalt  }
0x7d: {  	_ =	shalt  }
0x7e: {  	_ =	shalt  }
0x7f: {  	_ =	shalt  }
0x80: {  	_ =	shalt  }
0x81: {  	_ =	shalt  }
0x82: {  	_ =	shalt  }
0x83: {  	_ =	shalt  }
0x84: {  	_ =	shalt  }
0x85: {  	_ =	shalt  }
0x86: {  	_ =	shalt  }
0x87: {  	_ =	shalt  }
.Lfunc_end0:
.L_simem_size_0:
called_computation_lowered:
.L_overlay_start_0:
0x88: {  	s2 =	sld [smem:$0x3FD9]  }
0x89: {  	s3 =	sld [smem:$0x3FFE];
	_ =	sdelay $0x1  }
0x8a: {  	s1 =	srdreg.scid  }
0x8b: {  	s0 =	sand.u32 $0x1, s1  }
0x8c: {  	s14 =	sshll.u32 s0, $0xA;
	s2 =	sadd.s32 s3, s2  }
0x8d: {  	s2 =	sadd.s32 s2, s14  }
0x8e: {  	[smem:$0x3FBB] =	sst s2  }
0x8f: {  	_ = 	snop  }
0x90: {  	s2 =	sld [smem:$0x3FD0];
	_ =	sdelay $0x2  }
0x91: {  	s15 =	simm.s32 $0xA;
	s4 =	simm.s32 $0x10  }
0x92: {  	[smem:s4], [sflag:s15] =	dma.local [hbm:s2], $0x1  }
0x93: {  	_ =	swait.eq [sflag:s15], $0x1  }
0x94: {  	[sflag:s15] =	ssyncset.done $0x0  }
0x95: {  	[sflag:s15] =	ssyncadd.s32 $0xFFFFFFFF  }
0x96: {  	s16 =	sld [smem:$0x10];
	(tm) =	ssettm $0x1  }
0x97: {  	s17 =	sld [smem:$0x3FFB];
	_ =	sdelay $0x3  }
0x98: {  	_ =	strace s17  }
0x99: {  	s3 =	sld [smem:$0x3FFC];
	_ =	sdelay $0x3  }
0x9a: {  	_ =	strace s3  }
0x9b: {  	s3 =	sld [smem:$0x3FFD];
	_ =	sdelay $0x3  }
0x9c: {  	_ =	strace s3  }
0x9d: {  	_ =	strace $0x8FFFFFFF  }
0x9e: {  	s18 =	sld [smem:$0x3FDB];
	_ =	sdelay $0x1  }
0x9f: {  	s19 =	simm.s32 $_scs_section_size  }
0xa0: {  	s5 =	simm.s32 $_size__tile_overlayer_lowered;
	s6 =	simm.s32 $_tile_overlayer_lowered  }
0xa1: {  	s22 =	simm.s32 $0x1BFF;
	s21 =	sshll.u32 s6, $0x1;
	s3 =	sadd.s32 s19, s18  }
0xa2: {  	s7 =	simm.s32 $0x0;
	s20 =	sshll.u32 s5, $0x1;
	s5 =	sadd.s32 s21, s3  }
0xa3: {  	[timem:s7], [sflag:s22] =	dma.local [hbm:s5], s20  }
0xa4: {  	_ =	swait.ge [sflag:s22], s20  }
0xa5: {  	s4 =	ssub.s32 $0x0, s20;
	[sflag:s22] =	ssyncset.done $0x0  }
0xa6: {  	[sflag:s22] =	ssyncadd.s32 s4;
	_ =	sdelay $0x1  }
0xa7: {  	s23 =	simm.s32 $0x1B8B  }
0xa8: {  	_ =	swait.ge [sflag:s23], $0x1  }
0xa9: {  	[sflag:s23] =	ssyncset.done $0x0  }
0xaa: {  	s25 =	simm.s32 $0x1B8E;
	s24 =	sld [smem:$0x3FFE];
	[sflag:s23] =	ssyncadd.s32 $0xFFFFFFFF  }
0xab: {  	s26 =	simm.s32 $execute0_lowered;
	[smem:$0x3FD2] =	sst s25  }
0xac: {  	s5 =	sshll.u32 s26, $0x1;
	_ =	strace $0x80000046;
	[dreg:$0x1] =	wrdreg $0xFFFFFFFF  }
0xad: {  	s28 =	simm.s32 $_size_execute0_lowered;
	s3 =	sadd.s32 s3, s5;
	[dreg:$0x0] =	wrdreg $0x0  }
0xae: {  	s5 =	sshll.u32 s28, $0x1;
	[dreg:$0x2] =	wrdreg s3  }
0xaf: {  	[dreg:$0x3] =	wrdreg s5  }
0xb0: {  	[dreg:$0x4] =	wrdreg $0xC0  }
0xb1: {  	_ =	task [dreg:s7], $0x5FFFF  }
0xb2: {  	[dreg:$0x1] =	wrdreg $0xFFFFFFFF  }
0xb3: {  	[dreg:$0x0] =	wrdreg $0x60  }
0xb4: {  	[dreg:$0x2] =	wrdreg s24  }
0xb5: {  	[dreg:$0x3] =	wrdreg s16  }
0xb6: {  	[dreg:$0x4] =	wrdreg $0x9  }
0xb7: {  	_ =	task.clear_ibuf [dreg:s7], $0x5FFFF;
	_ =	strace $0x90000046  }
0xb8: {  	s29 =	simm.s32 $0x9;
	_ =	strace $0x80000048  }
0xb9: {  	_ =	swait.ge [sflag:s29], $0x1  }
0xba: {  	[sflag:s29] =	ssyncadd.s32 $0xFFFFFFFF  }
0xbb: {  	_ =	strace $0x90000048  }
0xbc: {  	_ =	sfence  }
0xbd: {  	s30 =	sld [smem:$0x0];
	_ =	sdelay $0x2  }
0xbe: {  	s31 =	sshll.u32 s1, $0xD;
	s1 =	sshrl.u32 s1, $0x2  }
0xbf: {  	s3 =	sand.u32 $0x4000, s31;
	s1 =	sadd.s32 s1, s30  }
0xc0: {  	s0 =	sor.u32 s3, s0;
	s1 =	sshll.u32 s1, $0x11  }
0xc1: {  	s0 =	sor.u32 s1, s0  }
0xc2: {  	s0 =	sadd.s32 $0x8F2B, s0  }
0xc3: {  	[sflag:s0] =	ssyncadd.remote.s32 $0x1  }
0xc4: {  	_ =	sfence.sel $0xFFFF  }
0xc5: {  	[dreg:$0x0] =	wrdreg $0xFFFFFFFF;
	(pc) =	sbr.abs _section_cstart, $3  }
0xc6: {  	[dreg:$0x1] =	wrdreg $0xFFFFFFFF  }
0xc7: {  	_ =	task.clear_ibuf [dreg:s7], $0x2FFFF;
	_ =	strace $0x9FFFFFFF  }
0xc8: {  	(tm) =	ssettm $0x7FFFFFFF  }
0xc9: {  	_ =	shalt  }
tec
execute0_lowered:
.L_overlay_start_1:
0x0: {  	(tag) =	ssettag $0x1  }
0x1: {  	s0 =	rddreg [dreg:$0x0]  }
0x2: {  	s1 =	rddreg [dreg:$0x1];
	s4 =	simm.s32 $0x0;
	s2 =	srdreg.scid  }
0x3: {  	s3 =	stileid.u32;
	s14 =	simm.s32 $0x2;
	s13 =	simm.s32 $0x9980  }
0x4: {  	s15 =	simm.s32 $0xA980;
	s16 =	simm.s32 $0xB180;
	s17 =	simm.s32 $0xB980  }
0x5: {  	s18 =	simm.s32 $0x1;
	s19 =	simm.s32 $0xC180;
	s20 =	simm.s32 $0x0  }
0x6: {  	[smem:$0x7FF] =	sst s4;
	s2 =	sand.u32 $0x1, s2;
	s3 =	sshll.u32 s3, $0x1  }
0x7: {  	s7 =	sadd.s32 $0x700, s0;
	s8 =	sadd.s32 $0x800, s0;
	s9 =	sadd.s32 $0x900, s0  }
0x8: {  	s10 =	sadd.s32 $0xA00, s0;
	s11 =	sadd.s32 $0xB00, s0;
	s3 =	sor.u32 s2, s3  }
0x9: {  	_ =	strace $0x80000047;
	s2 =	ssub.s32 $0x2, s2;
	s30 =	sshll.u32 s3, $0xF  }
0xa: {  	s5 =	smul.u32 $0x30, s3;
	s3 =	sadd.s32 $0x400, s0;
	s6 =	sshrl.u32 s2, $0x1  }
0xb: {  	s4 =	sadd.s32 s30, s0;
	s2 =	ssub.s32 s2, s6;
	s6 =	sadd.s32 $0x600, s0  }
0xc: {  	v2 =	vlaneseq.u32;
	s1 =	sadd.s32 s1, s5;
	s5 =	sadd.s32 $0x500, s0;
	s12 =	sadd.s32 $0x18400, s4  }
0xd: {  	vm0 =	vmmov $0xffff;
	v1 =	vshrl.u32 v2, $0x3;
	s31 =	smax.u32 s2, $0x1;
	s4 =	simm.s32 $0x9180;
	[dreg:$0x3] =	wrdreg s1  }
0xe: {  	v0 =	vand.u32 $0x7, v2;
	v2 =	vor.u32 $0x8, v2;
	v1 =	vmul.u32 $0x8, v1;
	s2 =	simm.s32 $0xA180;
	[dreg:$0x4] =	wrdreg s31;
	s1 =	simm.s32 $0x8980  }
.LBB2_1:
0xf: {  	[dreg:$0x5] =	wrdreg s20  }
0x10: {  	s0 =	simm.s32 $0x0;
	s31 =	rddreg [dreg:$0x3]  }
0x11: {  	[tilespmem:s0], [sflag:$0x2] =	stream.linear.gather [hbm4b:s31+s0], $0x180, $0x38;
	[tilespmem:$0x10180] =	vst v63  }
0x12: {  	_ =	swait.ge [sflag:s14], $0x180  }
0x13: {  	[sflag:s14] =	ssyncset.done $0x0  }
0x14: {  	s20 =	simm.s32 $0x0;
	[sflag:s14] =	ssyncadd.s32 $0xFFFFFE80  }
.LBB2_2:
0x15: {  	s21 =	smul.u32 $0x60, s20;
	_ =	sdelay $0x1  }
0x16: {  	s21 =	sshra.s32 s21, $0x2  }
0x17: {  	v3 =	vld [tilespmem:s21+$0x0];
	_ =	sdelay $0x4  }
0x18: {  	v4 =	vshll.u32 v3, $0x4  }
0x19: {  	v3 =	vand.u32 $0x7, v3;
	v4 =	vand.u32 $0xFFFFFF80, v4  }
0x1a: {  	v3 =	vor.u32 v3, v4  }
0x1b: {  	v4 =	vperm.xlane v3, v0;
	_ =	sdelay $0x1  }
0x1c: {  	v4 =	vadd.s32 v1, v4;
	_ =	sdelay $0x3  }
0x1d: {  	s22 =	simm.s32 $0x0;
	s0 =	simm.s32 $0x180  }
0x1e: {  	[tilespmem:s0], [sflag:$0x1] =	stream.indirect_vreg.gather [hbm4b:s3+s22], $0x80, v4, vm0, $0xb8;
	[tilespmem:$0x10180] =	vst v63  }
0x1f: {  	s26 =	simm.s32 $0x980  }
0x20: {  	[tilespmem:s26], [sflag:$0x1] =	stream.indirect_vreg.gather [hbm4b:s5+s22], $0x80, v4, vm0, $0xb8;
	[tilespmem:$0x10180] =	vst v63  }
0x21: {  	s29 =	simm.s32 $0x1180  }
0x22: {  	[tilespmem:s29], [sflag:$0x1] =	stream.indirect_vreg.gather [hbm4b:s6+s22], $0x80, v4, vm0, $0xb8;
	[tilespmem:$0x10180] =	vst v63  }
0x23: {  	s30 =	simm.s32 $0x1980  }
0x24: {  	[tilespmem:s30], [sflag:$0x1] =	stream.indirect_vreg.gather [hbm4b:s7+s22], $0x80, v4, vm0, $0xb8;
	[tilespmem:$0x10180] =	vst v63  }
0x25: {  	s31 =	simm.s32 $0x2180  }
0x26: {  	[tilespmem:s31], [sflag:$0x1] =	stream.indirect_vreg.gather [hbm4b:s8+s22], $0x80, v4, vm0, $0xb8;
	[tilespmem:$0x10180] =	vst v63  }
0x27: {  	s23 =	simm.s32 $0x2980;
	v3 =	vperm.xlane v3, v2  }
0x28: {  	[tilespmem:s23], [sflag:$0x1] =	stream.indirect_vreg.gather [hbm4b:s9+s22], $0x80, v4, vm0, $0xb8;
	[tilespmem:$0x10180] =	vst v63  }
0x29: {  	s24 =	simm.s32 $0x3180;
	v3 =	vadd.s32 v1, v3  }
0x2a: {  	[tilespmem:s24], [sflag:$0x1] =	stream.indirect_vreg.gather [hbm4b:s10+s22], $0x80, v4, vm0, $0xb8;
	[tilespmem:$0x10180] =	vst v63  }
0x2b: {  	s25 =	simm.s32 $0x3980  }
0x2c: {  	[tilespmem:s25], [sflag:$0x1] =	stream.indirect_vreg.gather [hbm4b:s11+s22], $0x80, v4, vm0, $0xb8;
	[tilespmem:$0x10180] =	vst v63  }
0x2d: {  	s26 =	simm.s32 $0x4180  }
0x2e: {  	[tilespmem:s26], [sflag:$0x1] =	stream.indirect_vreg.gather [hbm4b:s3+s22], $0x80, v3, vm0, $0xb8;
	[tilespmem:$0x10180] =	vst v63  }
0x2f: {  	s29 =	simm.s32 $0x4980  }
0x30: {  	[tilespmem:s29], [sflag:$0x1] =	stream.indirect_vreg.gather [hbm4b:s5+s22], $0x80, v3, vm0, $0xb8;
	[tilespmem:$0x10180] =	vst v63  }
0x31: {  	s30 =	simm.s32 $0x5180  }
0x32: {  	[tilespmem:s30], [sflag:$0x1] =	stream.indirect_vreg.gather [hbm4b:s6+s22], $0x80, v3, vm0, $0xb8;
	[tilespmem:$0x10180] =	vst v63  }
0x33: {  	s31 =	simm.s32 $0x5980  }
0x34: {  	[tilespmem:s31], [sflag:$0x1] =	stream.indirect_vreg.gather [hbm4b:s7+s22], $0x80, v3, vm0, $0xb8;
	[tilespmem:$0x10180] =	vst v63  }
0x35: {  	s23 =	simm.s32 $0x6180  }
0x36: {  	[tilespmem:s23], [sflag:$0x1] =	stream.indirect_vreg.gather [hbm4b:s8+s22], $0x80, v3, vm0, $0xb8;
	[tilespmem:$0x10180] =	vst v63  }
0x37: {  	s24 =	simm.s32 $0x6980  }
0x38: {  	[tilespmem:s24], [sflag:$0x1] =	stream.indirect_vreg.gather [hbm4b:s9+s22], $0x80, v3, vm0, $0xb8;
	[tilespmem:$0x10180] =	vst v63  }
0x39: {  	s25 =	simm.s32 $0x7180  }
0x3a: {  	[tilespmem:s25], [sflag:$0x1] =	stream.indirect_vreg.gather [hbm4b:s10+s22], $0x80, v3, vm0, $0xb8;
	[tilespmem:$0x10180] =	vst v63  }
0x3b: {  	s26 =	simm.s32 $0x7980  }
0x3c: {  	[tilespmem:s26], [sflag:$0x1] =	stream.indirect_vreg.gather [hbm4b:s11+s22], $0x80, v3, vm0, $0xb8;
	[tilespmem:$0x10180] =	vst v63  }
0x3d: {  	v3 =	vld.msk [tilespmem:s21+$0x10], $0xff;
	_ =	sdelay $0x4  }
0x3e: {  	v4 =	vshll.u32 v3, $0x4  }
0x3f: {  	v3 =	vand.u32 $0x7, v3;
	v4 =	vand.u32 $0xFFFFFF80, v4  }
0x40: {  	v3 =	vor.u32 v3, v4  }
0x41: {  	v3 =	vperm.xlane v3, v0;
	_ =	sdelay $0x1  }
0x42: {  	v3 =	vadd.s32 v1, v3;
	_ =	sdelay $0x3  }
0x43: {  	s29 =	simm.s32 $0x8180  }
0x44: {  	[tilespmem:s29], [sflag:$0x1] =	stream.indirect_vreg.gather [hbm4b:s3+s22], $0x80, v3, vm0, $0xb8;
	[tilespmem:$0x10180] =	vst v63  }
0x45: {  	_ = 	snop  }
0x46: {  	[tilespmem:s1], [sflag:$0x1] =	stream.indirect_vreg.gather [hbm4b:s5+s22], $0x80, v3, vm0, $0xb8;
	[tilespmem:$0x10180] =	vst v63  }
0x47: {  	_ = 	snop  }
0x48: {  	[tilespmem:s4], [sflag:$0x1] =	stream.indirect_vreg.gather [hbm4b:s6+s22], $0x80, v3, vm0, $0xb8;
	[tilespmem:$0x10180] =	vst v63  }
0x49: {  	_ = 	snop  }
0x4a: {  	[tilespmem:s13], [sflag:$0x1] =	stream.indirect_vreg.gather [hbm4b:s7+s22], $0x80, v3, vm0, $0xb8;
	[tilespmem:$0x10180] =	vst v63  }
0x4b: {  	_ = 	snop  }
0x4c: {  	[tilespmem:s2], [sflag:$0x1] =	stream.indirect_vreg.gather [hbm4b:s8+s22], $0x80, v3, vm0, $0xb8;
	[tilespmem:$0x10180] =	vst v63  }
0x4d: {  	_ = 	snop  }
0x4e: {  	[tilespmem:s15], [sflag:$0x1] =	stream.indirect_vreg.gather [hbm4b:s9+s22], $0x80, v3, vm0, $0xb8;
	[tilespmem:$0x10180] =	vst v63  }
0x4f: {  	_ = 	snop  }
0x50: {  	[tilespmem:s16], [sflag:$0x1] =	stream.indirect_vreg.gather [hbm4b:s10+s22], $0x80, v3, vm0, $0xb8;
	[tilespmem:$0x10180] =	vst v63  }
0x51: {  	_ = 	snop  }
0x52: {  	[tilespmem:s17], [sflag:$0x1] =	stream.indirect_vreg.gather [hbm4b:s11+s22], $0x80, v3, vm0, $0xb8;
	[tilespmem:$0x10180] =	vst v63  }
0x53: {  	_ =	swait.ge [sflag:s18], $0xC000  }
0x54: {  	s30 =	sand.u32 $0x70, s22;
	s23 =	sand.u32 $0x3C00, s22;
	[sflag:s18] =	ssyncset.done $0x0  }
0x55: {  	s23 =	sor.u32 s30, s23;
	[sflag:s18] =	ssyncadd.s32 $0xFFFF4000  }
0x56: {  	v4 =	vld [tilespmem:s23+$0x400]  }
0x57: {  	v3 =	vld [tilespmem:s23+$0x8280]  }
0x58: {  	v5 =	vld [tilespmem:s23+$0x8300]  }
0x59: {  	v11 =	vld [tilespmem:s23+$0x4400]  }
0x5a: {  	v12 =	vld [tilespmem:s23+$0x4380]  }
0x5b: {  	s28 =	simm.s32 $0x20;
	v6 =	vld [tilespmem:s23+$0x4200]  }
0x5c: {  	s0 =	simm.s32 $0x10;
	s31 =	sand.u32 $0x7, s22;
	s25 =	simm.s32 $0x1;
	v7 =	vld [tilespmem:s23+$0x380]  }
0x5d: {  	s30 =	sand.u32 $0x70, s0;
	s26 =	simm.s32 $0x80;
	s29 =	sand.u32 $0x7, s25;
	v8 =	vld [tilespmem:s23+$0x200]  }
0x5e: {  	s21 =	sshll.u32 s31, $0x4;
	s31 =	sand.u32 $0x3C00, s26;
	s29 =	sshll.u32 s29, $0x4;
	v9 =	vld [tilespmem:s23+$0x300]  }
0x5f: {  	s24 =	sadd.s32 $0x0, s21;
	s21 =	sor.u32 s30, s31;
	s22 =	sadd.s32 $0x80, s29;
	v10 =	vld [tilespmem:s23+$0x180];
	v3 =	vadd.f32 v5, v3;
	v5 =	vadd.f32 v11, v12  }
.LBB2_3:
0x60: {  	p0 =	sne.s32 s28, $0x7F0;
	s26 =	sadd.s32 $0x80, s26;
	s25 =	sadd.s32 $0x1, s25;
	v11 =	vld [tilespmem:s23+$0x4280]  }
0x61: {  	s30 =	smov.u32 s28;
	s28 =	sadd.s32 $0x10, s28;
	s29 =	sand.u32 $0x7, s25;
	v12 =	vld [tilespmem:s23+$0x280]  }
0x62: {  	s29 =	sshll.u32 s29, $0x4;
	v13 =	vld [tilespmem:s23+$0x4300]  }
0x63: {  	s29 =	sadd.s32 s29, s26;
	v7 =	vadd.f32 v7, v9;
	v9 =	vld [tilespmem:s23+$0x8180]  }
0x64: {  	v8 =	vadd.f32 v8, v10;
	v10 =	vld [tilespmem:s23+$0x4500]  }
0x65: {  	v6 =	vadd.f32 v11, v6;
	v11 =	vld [tilespmem:s23+$0x4480]  }
0x66: {  	v4 =	vadd.f32 v4, v7;
	v8 =	vadd.f32 v12, v8;
	v7 =	vld [tilespmem:s23+$0x8200]  }
0x67: {  	v6 =	vadd.f32 v13, v6;
	v12 =	vld [tilespmem:s23+$0x8380]  }
0x68: {  	[tilespmem:s23+$0xC200] =	vst v4;
	v4 =	vld [tilespmem:s23+$0x8480]  }
0x69: {  	s0 =	sor.u32 $0x380, s24;
	s30 =	sand.u32 $0x70, s30;
	s31 =	sand.u32 $0x3C00, s26;
	[tilespmem:s23+$0xC180] =	vst v8;
	v8 =	vld [tilespmem:s23+$0x480];
	v9 =	vadd.f32 v9, v10  }
0x6a: {  	s24 =	smov.u32 s22;
	s30 =	sor.u32 s30, s31;
	s22 =	smov.u32 s29;
	v10 =	vld [tilespmem:s0+$0x180];
	v5 =	vadd.f32 v11, v5  }
0x6b: {  	[tilespmem:s23+$0xC300] =	vst v6;
	v6 =	vadd.f32 v7, v9;
	v7 =	vld [tilespmem:s23+$0x8400]  }
0x6c: {  	v9 =	vld [tilespmem:s23+$0x4180];
	[tilespmem:s23+$0xC380] =	vst v5;
	v3 =	vadd.f32 v12, v3  }
0x6d: {  	[tilespmem:s23+$0xC400] =	vst v6;
	v5 =	vld [tilespmem:s23+$0x8500]  }
0x6e: {  	[tilespmem:s23+$0xC480] =	vst v3  }
0x6f: {  	v3 =	vadd.f32 v10, v8  }
0x70: {  	v4 =	vadd.f32 v4, v7  }
0x71: {  	v3 =	vadd.f32 v9, v3  }
0x72: {  	v4 =	vadd.f32 v5, v4  }
0x73: {  	[tilespmem:s23+$0xC280] =	vst v3;
	s23 =	smov.u32 s21;
	s21 =	smov.u32 s30  }
0x74: {  	[tilespmem:s0+$0xC180] =	vst v4  }
0x75: {  	v4 =	vld [tilespmem:s23+$0x400]  }
0x76: {  	v3 =	vld [tilespmem:s23+$0x8280]  }
0x77: {  	v5 =	vld [tilespmem:s23+$0x8300]  }
0x78: {  	v11 =	vld [tilespmem:s23+$0x4400]  }
0x79: {  	v12 =	vld [tilespmem:s23+$0x4380]  }
.Ltmp0:
0x7a: {  	v6 =	vld [tilespmem:s23+$0x4200];
	(pc) =	sbr.rel @p0 .LBB2_3-.Ltmp0, $4  }
0x7b: {  	v7 =	vld [tilespmem:s23+$0x380]  }
0x7c: {  	v8 =	vld [tilespmem:s23+$0x200];
	v3 =	vadd.f32 v5, v3  }
0x7d: {  	v9 =	vld [tilespmem:s23+$0x300]  }
0x7e: {  	v10 =	vld [tilespmem:s23+$0x180];
	v5 =	vadd.f32 v11, v12  }
0x7f: {  	v11 =	vld [tilespmem:s23+$0x4280]  }
0x80: {  	v12 =	vld [tilespmem:s23+$0x280]  }
0x81: {  	v13 =	vld [tilespmem:s23+$0x4300]  }
0x82: {  	v14 =	vld [tilespmem:s23+$0x8180]  }
0x83: {  	v31 =	vld [tilespmem:s23+$0x4500];
	v7 =	vadd.f32 v7, v9  }
0x84: {  	v15 =	vld [tilespmem:s23+$0x4480];
	v8 =	vadd.f32 v8, v10  }
0x85: {  	v32 =	vld [tilespmem:s23+$0x8200];
	v4 =	vadd.f32 v4, v7  }
0x86: {  	v33 =	vld [tilespmem:s23+$0x8380];
	v8 =	vadd.f32 v12, v8  }
0x87: {  	v35 =	vld [tilespmem:s23+$0x8480];
	[tilespmem:s23+$0xC200] =	vst v4  }
0x88: {  	v36 =	vld [tilespmem:s23+$0x480];
	s0 =	sor.u32 $0x380, s24;
	[tilespmem:s23+$0xC180] =	vst v8  }
0x89: {  	v37 =	vld [tilespmem:s0+$0x180]  }
0x8a: {  	v39 =	vld [tilespmem:s23+$0x8400];
	v34 =	vadd.f32 v11, v6  }
0x8b: {  	v40 =	vld [tilespmem:s23+$0x4180]  }
0x8c: {  	v41 =	vld [tilespmem:s23+$0x8500];
	v9 =	vadd.f32 v14, v31;
	v4 =	vadd.f32 v13, v34  }
0x8d: {  	v38 =	vadd.f32 v15, v5  }
0x8e: {  	v7 =	vadd.f32 v32, v9;
	[tilespmem:s23+$0xC300] =	vst v4;
	v42 =	vadd.f32 v37, v36  }
0x8f: {  	v3 =	vadd.f32 v33, v3;
	v5 =	vadd.f32 v35, v39;
	[tilespmem:s23+$0xC380] =	vst v38  }
0x90: {  	[tilespmem:s23+$0xC400] =	vst v7;
	v43 =	vadd.f32 v40, v42  }
0x91: {  	[tilespmem:s23+$0xC480] =	vst v3;
	v3 =	vadd.f32 v41, v5  }
0x92: {  	[tilespmem:s23+$0xC280] =	vst v43  }
0x93: {  	[tilespmem:s0+$0xC180] =	vst v3  }
0x94: {  	v3 =	vld [tilespmem:s21+$0x400]  }
0x95: {  	v44 =	vld [tilespmem:s21+$0x8280]  }
0x96: {  	v45 =	vld [tilespmem:s21+$0x8300]  }
0x97: {  	v6 =	vld [tilespmem:s21+$0x4400]  }
0x98: {  	v46 =	vld [tilespmem:s21+$0x4380]  }
0x99: {  	v47 =	vld [tilespmem:s21+$0x4200]  }
0x9a: {  	v48 =	vld [tilespmem:s21+$0x380]  }
0x9b: {  	v49 =	vld [tilespmem:s21+$0x200]  }
0x9c: {  	v50 =	vld [tilespmem:s21+$0x300]  }
0x9d: {  	v51 =	vld [tilespmem:s21+$0x180]  }
0x9e: {  	v52 =	vld [tilespmem:s21+$0x4280]  }
0x9f: {  	v53 =	vld [tilespmem:s21+$0x280]  }
0xa0: {  	v54 =	vld [tilespmem:s21+$0x4300]  }
0xa1: {  	v16 =	vld [tilespmem:s21+$0x8180];
	v9 =	vadd.f32 v48, v50  }
0xa2: {  	v55 =	vld [tilespmem:s21+$0x4500]  }
0xa3: {  	v17 =	vld [tilespmem:s21+$0x4480];
	v10 =	vadd.f32 v49, v51;
	v3 =	vadd.f32 v3, v9  }
0xa4: {  	v56 =	vld [tilespmem:s21+$0x8200]  }
0xa5: {  	v57 =	vld [tilespmem:s21+$0x8380];
	v10 =	vadd.f32 v53, v10;
	[tilespmem:s21+$0xC200] =	vst v3;
	v3 =	vadd.f32 v52, v47  }
0xa6: {  	v58 =	vld [tilespmem:s21+$0x8480]  }
0xa7: {  	s28 =	sor.u32 $0x380, s22;
	v59 =	vld [tilespmem:s21+$0x480];
	v6 =	vadd.f32 v6, v46;
	[tilespmem:s21+$0xC180] =	vst v10;
	v3 =	vadd.f32 v54, v3  }
0xa8: {  	v60 =	vld [tilespmem:s28+$0x180]  }
0xa9: {  	v61 =	vld [tilespmem:s21+$0x8400];
	[tilespmem:s21+$0xC300] =	vst v3;
	v3 =	vadd.f32 v17, v6  }
0xaa: {  	v62 =	vld [tilespmem:s21+$0x4180]  }
0xab: {  	v11 =	vadd.f32 v16, v55;
	[tilespmem:s21+$0xC380] =	vst v3;
	v3 =	vld [tilespmem:s21+$0x8500]  }
0xac: {  	v4 =	vadd.f32 v45, v44  }
0xad: {  	v9 =	vadd.f32 v56, v11;
	v63 =	vadd.f32 v60, v59  }
0xae: {  	v4 =	vadd.f32 v57, v4;
	v6 =	vadd.f32 v58, v61  }
0xaf: {  	[tilespmem:s21+$0xC400] =	vst v9;
	v5 =	vadd.f32 v62, v63  }
0xb0: {  	s29 =	sshll.u32 s20, $0xB;
	s20 =	sadd.s32 $0x1, s20;
	[tilespmem:s21+$0xC480] =	vst v4;
	v3 =	vadd.f32 v3, v6  }
0xb1: {  	p0 =	sne.s32 s20, $0x10;
	[tilespmem:s21+$0xC280] =	vst v5  }
.Ltmp1:
0xb2: {  	s31 =	simm.s32 $0x0;
	s30 =	sadd.s32 s29, s12;
	[tilespmem:s28+$0xC180] =	vst v3;
	(pc) =	sbr.rel @p0 .LBB2_2-.Ltmp1, $4  }
0xb3: {  	[hbm4b:s30+s31] =	stream.linear.scatter [tilespmem:s19], [sflag:$0x2], $0x4000, $0x38;
	[tilespmem:$0x10180] =	vst v63  }
0xb4: {  	_ =	swait.ge [sflag:s14], $0x4000  }
0xb5: {  	[sflag:s14] =	ssyncset.done $0x0  }
0xb6: {  	[sflag:s14] =	ssyncadd.s32 $0xFFFFC000  }
0xb7: {  	s20 =	rddreg [dreg:$0x5]  }
0xb8: {  	s0 =	rddreg [dreg:$0x4];
	s20 =	sadd.s32 $0x1, s20  }
0xb9: {  	p0 =	sne.s32 s20, s0  }
.Ltmp2:
0xba: {  	_ = 	snop;
	(pc) =	sbr.rel @p0 .LBB2_1-.Ltmp2, $1  }
0xbb: {  	_ =	sdelay $0x3  }
0xbc: {  	_ =	sfence.sel $0x180000  }
0xbd: {  	[bflag:$0x0] =	sbarrier.arrive $0xFFFF  }
0xbe: {  	_ =	strace $0x90000047  }
0xbf: {  	s0 =	stileid.u32;
	[bflag:$0x2] =	sbarrier.arrive $0xFFFF  }
0xc0: {  	p0 =	sne.s32 s0, $0x0;
	s0 =	rddreg [dreg:$0x2]  }
0xc1: {  	s0 =	sadd.s32 @!p0 $0x100000, s0  }
0xc2: {  	[sflag:s0] =	ssyncadd.tile.s32 @!p0 $0x1;
	_ =	shalt  }
.Lfunc_end2:
_tile_overlayer_lowered:
.L_overlay_start_2:
0xc3: {  	(tag) =	ssettag $0x2  }
0xc4: {  	s0 =	rddreg [dreg:$0x0];
	s2 =	stileid.u32  }
0xc5: {  	s1 =	rddreg [dreg:$0x1];
	p0 =	sne.s32 s2, $0x0  }
0xc6: {  	s3 =	rddreg [dreg:$0x2];
	[bflag:$0x3] =	sbarrier.arrive $0xFFFF;
	s2 =	simm.s32 @!p0 $0x1C02  }
0xc7: {  	[timem:s3], [sflag:s2] =	dma.local @!p0 [hbm:s0], s1  }
0xc8: {  	s0 =	simm.s32 @!p0 $0x2  }
0xc9: {  	_ =	swait.ge @!p0 [sflag:s0], s1  }
0xca: {  	s1 =	ssub.s32 @!p0 $0x0, s1;
	[sflag:s0] =	ssyncset.done @!p0 $0x0  }
0xcb: {  	[sflag:s0] =	ssyncadd.s32 @!p0 s1  }
0xcc: {  	[bflag:$0x3] =	sbarrier.arrive $0xFFFF  }
0xcd: {  	_ =	shalt  }

</sc_bundles>
